<compile_context>
chip_gen: v7x
topology: tpu7x:2x2x1
jax: 0.10.2.dev20260603
libtpu: 0.0.44.dev20260713+nightly
codegen_flags: <defaults>
</compile_context>

<pallas_src>
import functools

import jax
import jax.numpy as jnp
from jax import lax
from jax.experimental import pallas as pl
from jax.experimental.pallas import tpu as pltpu
from jax.experimental.pallas import tpu_sc as plsc

STAGE1_RATE = 0.5
STAGE2_RATE = 0.75

_NC = 2
_NS = 16
_L = 16
_NW = _NC * _NS
_S = 16384
_RB = 512


def _iota16():
    return lax.iota(jnp.int32, _L)


def _splat(x, dtype=jnp.int32):
    return jnp.full((_L,), x, dtype)


def _idx_row(ref2d, g):
    return plsc.load_gather(ref2d, [_splat(g), _iota16()])


def _select_body(pred_ref, lab_ref, mask_ref, out_ref):
    lab = lab_ref[...]
    m = mask_ref[...]
    pred = pred_ref[...]
    classes = jax.lax.broadcasted_iota(jnp.int32, pred.shape, 1)
    onehot = (classes == lab).astype(pred.dtype)
    out_ref[...] = jnp.where(m > 0, onehot, pred)


def _make_sc_body(s_off):
    def _sc_body(pred_hbm, lab_hbm, rand_hbm, ratio_hbm, zrow_hbm, out_hbm,
                 lab_v, rand_v, ratio_v, idx_u, idx_m, lab_m, cbuf, obuf,
                 gsem, ssem, msem):
        rows_per_w = lab_v.shape[0]
        n_vec = rows_per_w // _L
        wid = lax.axis_index("s") * _NC + lax.axis_index("c")
        base = s_off + wid * rows_per_w

        pltpu.sync_copy(lab_hbm.at[pl.ds(base, rows_per_w)], lab_v)
        pltpu.sync_copy(rand_hbm.at[pl.ds(base, rows_per_w)], rand_v)
        pltpu.sync_copy(ratio_hbm, ratio_v)
        pltpu.sync_copy(zrow_hbm, obuf.at[pl.ds(0, _L)])
        pltpu.sync_copy(zrow_hbm, obuf.at[pl.ds(_L, _L)])

        ratio = ratio_v[...]
        iota = _iota16()
        ones_f = jnp.full((_L,), 1.0, jnp.float32)
        zeros_f = jnp.full((_L,), 0.0, jnp.float32)

        def compact(i, cnt):
            cnt_u, cnt_m = cnt
            lv = lab_v[pl.ds(i * _L, _L)]
            rv = rand_v[pl.ds(i * _L, _L)]
            m = (rv < ratio) & (lv >= _splat(0))
            mi = jnp.where(m, _splat(1), _splat(0))
            ids = _splat(base) + _splat(i * _L) + iota
            pos_u = _splat(cnt_u) + plsc.cumsum(_splat(1) - mi) - _splat(1)
            plsc.store_scatter(idx_u, [pos_u >> 4, pos_u & 15], ids, mask=~m)
            pos_m = _splat(cnt_m) + plsc.cumsum(mi) - _splat(1)
            plsc.store_scatter(idx_m, [pos_m >> 4, pos_m & 15], ids, mask=m)
            plsc.store_scatter(lab_m, [pos_m >> 4, pos_m & 15], lv, mask=m)
            return cnt_u + jnp.sum(_splat(1) - mi), cnt_m + jnp.sum(mi)

        k_u, k_m = lax.fori_loop(0, n_vec, compact,
                                 (jnp.int32(0), jnp.int32(0)))

        def pad_tail(idx2d, k, also=None):
            rem = k & 15

            @pl.when((k > 0) & (rem != 0))
            def _():
                g = k >> 4
                keep = iota < _splat(rem)
                first = plsc.load_gather(idx2d, [_splat(0), _splat(0)])
                plsc.store_scatter(idx2d, [_splat(g), iota], first,
                                   mask=~keep)
                if also is not None:
                    first2 = plsc.load_gather(also, [_splat(0), _splat(0)])
                    plsc.store_scatter(also, [_splat(g), iota], first2,
                                       mask=~keep)

        pad_tail(idx_u, k_u)
        pad_tail(idx_m, k_m, also=lab_m)

        q_u = (k_u + 15) >> 4
        q_m = (k_m + 15) >> 4
        n_win = jnp.maximum((q_u + 1) >> 1, (q_m + 1) >> 1)

        def window(w, carry):
            g0 = w * 2

            for j in range(2):
                @pl.when(g0 + j < q_u)
                def _(j=j):
                    idxv = _idx_row(idx_u, g0 + j)
                    pltpu.async_copy(pred_hbm.at[idxv],
                                     cbuf.at[pl.ds(j * _L, _L)], gsem)

            for j in range(2):
                @pl.when(g0 + j < q_m)
                def _(j=j):
                    labv = jnp.clip(_idx_row(lab_m, g0 + j), 0, 1023)
                    rowsv = _splat(j * _L) + iota
                    plsc.store_scatter(obuf, [rowsv, labv], ones_f)
                    idxv = _idx_row(idx_m, g0 + j) - _splat(s_off)
                    pltpu.async_copy(obuf.at[pl.ds(j * _L, _L)],
                                     out_hbm.at[idxv], msem)

            for j in range(2):
                @pl.when(g0 + j < q_u)
                def _(j=j):
                    idxv = _idx_row(idx_u, g0 + j)
                    pltpu.make_async_copy(pred_hbm.at[idxv],
                                          cbuf.at[pl.ds(j * _L, _L)],
                                          gsem).wait()
                    pltpu.async_copy(cbuf.at[pl.ds(j * _L, _L)],
                                     out_hbm.at[idxv - _splat(s_off)], ssem)

            for j in range(2):
                @pl.when(g0 + j < q_m)
                def _(j=j):
                    idxv = _idx_row(idx_m, g0 + j) - _splat(s_off)
                    pltpu.make_async_copy(obuf.at[pl.ds(j * _L, _L)],
                                          out_hbm.at[idxv], msem).wait()
                    labv = jnp.clip(_idx_row(lab_m, g0 + j), 0, 1023)
                    rowsv = _splat(j * _L) + iota
                    plsc.store_scatter(obuf, [rowsv, labv], zeros_f)

            for j in range(2):
                @pl.when(g0 + j < q_u)
                def _(j=j):
                    idxv = _idx_row(idx_u, g0 + j) - _splat(s_off)
                    pltpu.make_async_copy(cbuf.at[pl.ds(j * _L, _L)],
                                          out_hbm.at[idxv], ssem).wait()
            return carry

        lax.fori_loop(0, n_win, window, jnp.int32(0))

    return _sc_body


def kernel(obj_sem_cls_pred, obj_labels, cur_step, total_steps):
    b, n, c = obj_sem_cls_pred.shape
    rows = b * n
    sc_rows = rows - _S
    rows_per_w = sc_rows // _NW
    mixup_ratio = jnp.clip(
        (total_steps * STAGE2_RATE - cur_step)
        / ((STAGE2_RATE - STAGE1_RATE) * total_steps),
        0.0,
        1.0,
    ).astype(jnp.float32)
    random_numer = jax.random.uniform(
        jax.random.key(42), (b, n), dtype=jnp.float32
    )

    pred2d = obj_sem_cls_pred.reshape(rows, c)
    lab1d = obj_labels.astype(jnp.int32).reshape(rows)
    rand1d = random_numer.reshape(rows)
    ratio16 = jnp.full((_L,), mixup_ratio, jnp.float32)
    zrow = jnp.zeros((_L, c), jnp.float32)

    mesh = plsc.VectorSubcoreMesh(
        core_axis_name="c", subcore_axis_name="s",
        num_cores=_NC, num_subcores=_NS,
    )
    sc_run = functools.partial(
        pl.kernel,
        out_type=jax.ShapeDtypeStruct((sc_rows, c), jnp.float32),
        mesh=mesh,
        compiler_params=pltpu.CompilerParams(needs_layout_passes=False),
        scratch_types=[
            pltpu.VMEM((rows_per_w,), jnp.int32),
            pltpu.VMEM((rows_per_w,), jnp.float32),
            pltpu.VMEM((_L,), jnp.float32),
            pltpu.VMEM((rows_per_w // _L, _L), jnp.int32),
            pltpu.VMEM((rows_per_w // _L, _L), jnp.int32),
            pltpu.VMEM((rows_per_w // _L, _L), jnp.int32),
            pltpu.VMEM((2 * _L, c), jnp.float32),
            pltpu.VMEM((2 * _L, c), jnp.float32),
            pltpu.SemaphoreType.DMA,
            pltpu.SemaphoreType.DMA,
            pltpu.SemaphoreType.DMA,
        ],
    )(_make_sc_body(_S))
    sc_out = sc_run(pred2d, lab1d, rand1d, ratio16, zrow)

    mask = ((random_numer.reshape(rows) < mixup_ratio)
            & (lab1d >= 0)).astype(jnp.int32)
    lab2d = lab1d[:_S].reshape(_S, 1)
    mask2d = mask[:_S].reshape(_S, 1)
    tc_out = pl.pallas_call(
        _select_body,
        grid=(_S // _RB,),
        in_specs=[
            pl.BlockSpec((_RB, c), lambda i: (i, 0)),
            pl.BlockSpec((_RB, 1), lambda i: (i, 0)),
            pl.BlockSpec((_RB, 1), lambda i: (i, 0)),
        ],
        out_specs=pl.BlockSpec((_RB, c), lambda i: (i, 0)),
        out_shape=jax.ShapeDtypeStruct((_S, c), obj_sem_cls_pred.dtype),
        compiler_params=pltpu.CompilerParams(
            dimension_semantics=("arbitrary",),
        ),
    )(pred2d[:_S], lab2d, mask2d)

    out = jnp.concatenate([tc_out, sc_out], axis=0)
    return out.reshape(b, n, c)

# --- scband reference (transcript-rebuilt; emitter-appended) ---
"""Pipeline reference for scband-linear-decay-mixup-57251914056262 (READ-ONLY COPY).

The authoritative reference and input builder live on the scoring server;
editing this copy changes nothing except your own understanding.
"""

import jax, jax.numpy as jnp
import numpy as np

STAGE1_RATE = 0.5
STAGE2_RATE = 0.75


def setup_inputs(seed: int = 0) -> dict:
    key = jax.random.key(seed)
    k1, k2 = jax.random.split(key)
    obj_sem_cls_pred = jax.random.normal(k1, (64, 512, 1024), dtype=jnp.float32)
    obj_labels = jax.random.randint(k2, (64, 512), 0, 1024)
    return {
        "obj_sem_cls_pred": obj_sem_cls_pred,
        "obj_labels": obj_labels,
        "cur_step": 60000,
        "total_steps": 100000,
    }


def reference(obj_sem_cls_pred, obj_labels, cur_step, total_steps):
    # linear-decay mixup ratio (piecewise definition expressed as a clipped linear ramp)
    mixup_ratio = jnp.clip(
        (total_steps * STAGE2_RATE - cur_step) / ((STAGE2_RATE - STAGE1_RATE) * total_steps),
        0.0,
        1.0,
    )
    # deterministic stand-in for torch.rand inside forward
    random_numer = jax.random.uniform(jax.random.key(42), obj_sem_cls_pred.shape[0:2], dtype=jnp.float32)
    mixup_mask = (random_numer < mixup_ratio) & (obj_labels >= 0)
    num_classes = obj_sem_cls_pred.shape[-1]
    # scatter-overwrite: zero the row, set label position to 1 == one-hot row
    safe_labels = jnp.clip(obj_labels, 0, num_classes - 1)
    onehot = jax.nn.one_hot(safe_labels, num_classes, dtype=obj_sem_cls_pred.dtype)
    mixup_sem_cls_pred = jnp.where(mixup_mask[..., None], onehot, obj_sem_cls_pred)
    return mixup_sem_cls_pred

if __name__ == "__main__":
    import jax
    _d = setup_inputs()
    print(jax.jit(kernel)(*tuple(_d.values())))

</pallas_src>

<mosaic_0001>
#map = affine_map<(d0, d1) -> (0, 0)>
#map1 = affine_map<(d0, d1) -> (0)>
module attributes {stable_mosaic.version = 14 : i64} {
  func.func @_sc_body(%arg0: i32, %arg1: i32, %arg2: memref<32768x1024xf32, #tpu.memory_space<hbm>>, %arg3: memref<32768xi32, #tpu.memory_space<hbm>>, %arg4: memref<32768xf32, #tpu.memory_space<hbm>>, %arg5: memref<16xf32, #tpu.memory_space<hbm>>, %arg6: memref<16x1024xf32, #tpu.memory_space<hbm>>, %arg7: memref<16384x1024xf32, #tpu.memory_space<hbm>>, %arg8: memref<512xi32, #tpu.memory_space<vmem>>, %arg9: memref<512xf32, #tpu.memory_space<vmem>>, %arg10: memref<16xf32, #tpu.memory_space<vmem>>, %arg11: memref<32x16xi32, #tpu.memory_space<vmem>>, %arg12: memref<32x16xi32, #tpu.memory_space<vmem>>, %arg13: memref<32x16xi32, #tpu.memory_space<vmem>>, %arg14: memref<32x1024xf32, #tpu.memory_space<vmem>>, %arg15: memref<32x1024xf32, #tpu.memory_space<vmem>>, %arg16: memref<!tpu.dma_semaphore, #tpu.memory_space<semaphore_mem>>, %arg17: memref<!tpu.dma_semaphore, #tpu.memory_space<semaphore_mem>>, %arg18: memref<!tpu.dma_semaphore, #tpu.memory_space<semaphore_mem>>) attributes {dimension_semantics = [#tpu.dimension_semantics<core_parallel>, #tpu.dimension_semantics<subcore_parallel>], iteration_bounds = array<i64: 2, 16>, scalar_prefetch = 0 : i64, scratch_operands = 11 : i64, tpu.core_type = #tpu.core_type<sc_vector_subcore>, window_params = [{transform_indices = #map}, {transform_indices = #map1}, {transform_indices = #map1}, {transform_indices = #map1}, {transform_indices = #map}, {transform_indices = #map}]} {
    %mul3A = arith.constant 2 : i32
    %mul3A_0 = arith.muli %arg1, %mul3A : i32
    %add3A = arith.addi %mul3A_0, %arg0 : i32
    %mul3A_1 = arith.constant 512 : i32
    %mul3A_2 = arith.muli %add3A, %mul3A_1 : i32
    %add3A_3 = arith.constant 16384 : i32
    %add3A_4 = arith.addi %add3A_3, %mul3A_2 : i32
    "tpu.region"() ({
      %run_scoped3A = tpu.sem_alloc : memref<!tpu.dma_semaphore, #tpu.memory_space<semaphore_mem>>
      %dma_start3A = tpu.memref_slice %arg3[%add3A_4] : memref<32768xi32, #tpu.memory_space<hbm>> -> memref<512xi32, #tpu.memory_space<hbm>>
      %dma_start3A_55 = tpu.memref_slice %arg3[%add3A_4] : memref<32768xi32, #tpu.memory_space<hbm>> -> memref<512xi32, #tpu.memory_space<hbm>>
      tpu.enqueue_dma source(%dma_start3A_55 : memref<512xi32, #tpu.memory_space<hbm>>) target(%arg8 : memref<512xi32, #tpu.memory_space<vmem>>) target_semaphore(%run_scoped3A : memref<!tpu.dma_semaphore, #tpu.memory_space<semaphore_mem>>)
      %dma_wait3A = tpu.memref_slice %arg3[%add3A_4] : memref<32768xi32, #tpu.memory_space<hbm>> -> memref<512xi32, #tpu.memory_space<hbm>>
      %dma_wait3A_56 = tpu.memref_slice %arg3[%add3A_4] : memref<32768xi32, #tpu.memory_space<hbm>> -> memref<512xi32, #tpu.memory_space<hbm>>
      tpu.wait_dma2 semaphore(%run_scoped3A : memref<!tpu.dma_semaphore, #tpu.memory_space<semaphore_mem>>) src(%dma_wait3A_56 : memref<512xi32, #tpu.memory_space<hbm>>) dst(%arg8 : memref<512xi32, #tpu.memory_space<vmem>>)
      tpu.yield
    }) : () -> ()
    "tpu.region"() ({
      %run_scoped3A = tpu.sem_alloc : memref<!tpu.dma_semaphore, #tpu.memory_space<semaphore_mem>>
      %dma_start3A = tpu.memref_slice %arg4[%add3A_4] : memref<32768xf32, #tpu.memory_space<hbm>> -> memref<512xf32, #tpu.memory_space<hbm>>
      %dma_start3A_55 = tpu.memref_slice %arg4[%add3A_4] : memref<32768xf32, #tpu.memory_space<hbm>> -> memref<512xf32, #tpu.memory_space<hbm>>
      tpu.enqueue_dma source(%dma_start3A_55 : memref<512xf32, #tpu.memory_space<hbm>>) target(%arg9 : memref<512xf32, #tpu.memory_space<vmem>>) target_semaphore(%run_scoped3A : memref<!tpu.dma_semaphore, #tpu.memory_space<semaphore_mem>>)
      %dma_wait3A = tpu.memref_slice %arg4[%add3A_4] : memref<32768xf32, #tpu.memory_space<hbm>> -> memref<512xf32, #tpu.memory_space<hbm>>
      %dma_wait3A_56 = tpu.memref_slice %arg4[%add3A_4] : memref<32768xf32, #tpu.memory_space<hbm>> -> memref<512xf32, #tpu.memory_space<hbm>>
      tpu.wait_dma2 semaphore(%run_scoped3A : memref<!tpu.dma_semaphore, #tpu.memory_space<semaphore_mem>>) src(%dma_wait3A_56 : memref<512xf32, #tpu.memory_space<hbm>>) dst(%arg9 : memref<512xf32, #tpu.memory_space<vmem>>)
      tpu.yield
    }) : () -> ()
    "tpu.region"() ({
      %run_scoped3A = tpu.sem_alloc : memref<!tpu.dma_semaphore, #tpu.memory_space<semaphore_mem>>
      tpu.enqueue_dma source(%arg5 : memref<16xf32, #tpu.memory_space<hbm>>) target(%arg10 : memref<16xf32, #tpu.memory_space<vmem>>) target_semaphore(%run_scoped3A : memref<!tpu.dma_semaphore, #tpu.memory_space<semaphore_mem>>)
      tpu.wait_dma2 semaphore(%run_scoped3A : memref<!tpu.dma_semaphore, #tpu.memory_space<semaphore_mem>>) src(%arg5 : memref<16xf32, #tpu.memory_space<hbm>>) dst(%arg10 : memref<16xf32, #tpu.memory_space<vmem>>)
      tpu.yield
    }) : () -> ()
    "tpu.region"() ({
      %run_scoped3A = tpu.sem_alloc : memref<!tpu.dma_semaphore, #tpu.memory_space<semaphore_mem>>
      %dma_start3A = arith.constant 0 : i32
      %dma_start3A_55 = arith.constant 0 : i32
      %dma_start3A_56 = tpu.memref_slice %arg15[%dma_start3A, %dma_start3A_55] : memref<32x1024xf32, #tpu.memory_space<vmem>> -> memref<16x1024xf32, #tpu.memory_space<vmem>>
      %dma_start3A_57 = arith.constant 0 : i32
      %dma_start3A_58 = arith.constant 0 : i32
      %dma_start3A_59 = tpu.memref_slice %arg15[%dma_start3A_57, %dma_start3A_58] : memref<32x1024xf32, #tpu.memory_space<vmem>> -> memref<16x1024xf32, #tpu.memory_space<vmem>>
      tpu.enqueue_dma source(%arg6 : memref<16x1024xf32, #tpu.memory_space<hbm>>) target(%dma_start3A_59 : memref<16x1024xf32, #tpu.memory_space<vmem>>) target_semaphore(%run_scoped3A : memref<!tpu.dma_semaphore, #tpu.memory_space<semaphore_mem>>)
      %dma_wait3A = arith.constant 0 : i32
      %dma_wait3A_60 = arith.constant 0 : i32
      %dma_wait3A_61 = tpu.memref_slice %arg15[%dma_wait3A, %dma_wait3A_60] : memref<32x1024xf32, #tpu.memory_space<vmem>> -> memref<16x1024xf32, #tpu.memory_space<vmem>>
      %dma_wait3A_62 = arith.constant 0 : i32
      %dma_wait3A_63 = arith.constant 0 : i32
      %dma_wait3A_64 = tpu.memref_slice %arg15[%dma_wait3A_62, %dma_wait3A_63] : memref<32x1024xf32, #tpu.memory_space<vmem>> -> memref<16x1024xf32, #tpu.memory_space<vmem>>
      tpu.wait_dma2 semaphore(%run_scoped3A : memref<!tpu.dma_semaphore, #tpu.memory_space<semaphore_mem>>) src(%arg6 : memref<16x1024xf32, #tpu.memory_space<hbm>>) dst(%dma_wait3A_64 : memref<16x1024xf32, #tpu.memory_space<vmem>>)
      tpu.yield
    }) : () -> ()
    "tpu.region"() ({
      %run_scoped3A = tpu.sem_alloc : memref<!tpu.dma_semaphore, #tpu.memory_space<semaphore_mem>>
      %dma_start3A = arith.constant 16 : i32
      %dma_start3A_55 = arith.constant 0 : i32
      %dma_start3A_56 = tpu.memref_slice %arg15[%dma_start3A, %dma_start3A_55] : memref<32x1024xf32, #tpu.memory_space<vmem>> -> memref<16x1024xf32, #tpu.memory_space<vmem>>
      %dma_start3A_57 = arith.constant 16 : i32
      %dma_start3A_58 = arith.constant 0 : i32
      %dma_start3A_59 = tpu.memref_slice %arg15[%dma_start3A_57, %dma_start3A_58] : memref<32x1024xf32, #tpu.memory_space<vmem>> -> memref<16x1024xf32, #tpu.memory_space<vmem>>
      tpu.enqueue_dma source(%arg6 : memref<16x1024xf32, #tpu.memory_space<hbm>>) target(%dma_start3A_59 : memref<16x1024xf32, #tpu.memory_space<vmem>>) target_semaphore(%run_scoped3A : memref<!tpu.dma_semaphore, #tpu.memory_space<semaphore_mem>>)
      %dma_wait3A = arith.constant 16 : i32
      %dma_wait3A_60 = arith.constant 0 : i32
      %dma_wait3A_61 = tpu.memref_slice %arg15[%dma_wait3A, %dma_wait3A_60] : memref<32x1024xf32, #tpu.memory_space<vmem>> -> memref<16x1024xf32, #tpu.memory_space<vmem>>
      %dma_wait3A_62 = arith.constant 16 : i32
      %dma_wait3A_63 = arith.constant 0 : i32
      %dma_wait3A_64 = tpu.memref_slice %arg15[%dma_wait3A_62, %dma_wait3A_63] : memref<32x1024xf32, #tpu.memory_space<vmem>> -> memref<16x1024xf32, #tpu.memory_space<vmem>>
      tpu.wait_dma2 semaphore(%run_scoped3A : memref<!tpu.dma_semaphore, #tpu.memory_space<semaphore_mem>>) src(%arg6 : memref<16x1024xf32, #tpu.memory_space<hbm>>) dst(%dma_wait3A_64 : memref<16x1024xf32, #tpu.memory_space<vmem>>)
      tpu.yield
    }) : () -> ()
    %get3A = arith.constant 0 : index
    %get3A_5 = tpu.vector_load %arg10[%get3A] {strides = array<i32>} : memref<16xf32, #tpu.memory_space<vmem>>, vector<16xf32>,
    %iota3A = tpu.iota {dimensions = array<i32: 0>} : vector<16xi32>
    %broadcast_in_dim3A = arith.constant 1.000000e+00 : f32
    %broadcast_in_dim3A_6 = vector.broadcast %broadcast_in_dim3A : f32 to vector<16xf32>
    %broadcast_in_dim3A_7 = arith.constant 0.000000e+00 : f32
    %broadcast_in_dim3A_8 = vector.broadcast %broadcast_in_dim3A_7 : f32 to vector<16xf32>
    %scan3A = arith.constant 0 : i32
    %scan3A_9 = arith.constant 0 : i32
    %scan3A_10 = arith.constant 0 : i32
    %scan3A_11 = arith.constant 32 : i32
    %scan3A_12 = arith.addi %scan3A_10, %scan3A_11 : i32
    %scan3A_13 = arith.constant 1 : i32
    %scan3A_14:2 = scf.for %scan3A_55 = %scan3A_10 to %scan3A_12 step %scan3A_13 iter_args(%scan3A_56 = %scan3A, %scan3A_57 = %scan3A_9) -> (i32, i32)  : i32 {
      %mul3A_58 = arith.constant 16 : i32
      %mul3A_59 = arith.muli %scan3A_55, %mul3A_58 : i32
      %get3A_60 = arith.index_cast %mul3A_59 : i32 to index
      %get3A_61 = tpu.vector_load %arg8[%get3A_60] {strides = array<i32>} : memref<512xi32, #tpu.memory_space<vmem>>, vector<16xi32>,
      %mul3A_62 = arith.constant 16 : i32
      %mul3A_63 = arith.muli %scan3A_55, %mul3A_62 : i32
      %get3A_64 = arith.index_cast %mul3A_63 : i32 to index
      %get3A_65 = tpu.vector_load %arg9[%get3A_64] {strides = array<i32>} : memref<512xf32, #tpu.memory_space<vmem>>, vector<16xf32>,
      %lt3A = arith.cmpf olt, %get3A_65, %get3A_5 : vector<16xf32>
      %broadcast_in_dim3A_66 = arith.constant 0 : i32
      %broadcast_in_dim3A_67 = vector.broadcast %broadcast_in_dim3A_66 : i32 to vector<16xi32>
      %ge3A = arith.cmpi sge, %get3A_61, %broadcast_in_dim3A_67 : vector<16xi32>
      %and3A_68 = arith.andi %lt3A, %ge3A : vector<16xi1>
      %broadcast_in_dim3A_69 = arith.constant 1 : i32
      %broadcast_in_dim3A_70 = vector.broadcast %broadcast_in_dim3A_69 : i32 to vector<16xi32>
      %broadcast_in_dim3A_71 = arith.constant 0 : i32
      %broadcast_in_dim3A_72 = vector.broadcast %broadcast_in_dim3A_71 : i32 to vector<16xi32>
      %select_n3A = arith.select %and3A_68, %broadcast_in_dim3A_70, %broadcast_in_dim3A_72 : vector<16xi1>, vector<16xi32>
      %broadcast_in_dim3A_73 = vector.broadcast %add3A_4 : i32 to vector<16xi32>
      %mul3A_74 = arith.constant 16 : i32
      %mul3A_75 = arith.muli %scan3A_55, %mul3A_74 : i32
      %broadcast_in_dim3A_76 = vector.broadcast %mul3A_75 : i32 to vector<16xi32>
      %add3A_77 = arith.addi %broadcast_in_dim3A_73, %broadcast_in_dim3A_76 : vector<16xi32>
      %add3A_78 = arith.addi %add3A_77, %iota3A : vector<16xi32>
      %broadcast_in_dim3A_79 = vector.broadcast %scan3A_56 : i32 to vector<16xi32>
      %broadcast_in_dim3A_80 = arith.constant 1 : i32
      %broadcast_in_dim3A_81 = vector.broadcast %broadcast_in_dim3A_80 : i32 to vector<16xi32>
      %sub3A = arith.subi %broadcast_in_dim3A_81, %select_n3A : vector<16xi32>
      %broadcast_in_dim3A_82 = arith.constant true
      %broadcast_in_dim3A_83 = vector.broadcast %broadcast_in_dim3A_82 : i1 to vector<16xi1>
      %masked_cumsum3A = tpu.scan <sum>, %sub3A masked %broadcast_in_dim3A_83 : vector<16xi32>, vector<16xi1> -> vector<16xi32>
      %add3A_84 = arith.addi %broadcast_in_dim3A_79, %masked_cumsum3A : vector<16xi32>
      %broadcast_in_dim3A_85 = arith.constant 1 : i32
      %broadcast_in_dim3A_86 = vector.broadcast %broadcast_in_dim3A_85 : i32 to vector<16xi32>
      %sub3A_87 = arith.subi %add3A_84, %broadcast_in_dim3A_86 : vector<16xi32>
      %shift_right_arithmetic3A_88 = arith.constant 4 : i32
      %shift_right_arithmetic3A_89 = vector.broadcast %shift_right_arithmetic3A_88 : i32 to vector<16xi32>
      %shift_right_arithmetic3A_90 = arith.shrsi %sub3A_87, %shift_right_arithmetic3A_89 : vector<16xi32>
      %and3A_91 = arith.constant 15 : i32
      %and3A_92 = vector.broadcast %and3A_91 : i32 to vector<16xi32>
      %and3A_93 = arith.andi %sub3A_87, %and3A_92 : vector<16xi32>
      %not3A = arith.constant dense<true> : vector<16xi1>
      %not3A_94 = arith.xori %and3A_68, %not3A : vector<16xi1>
      tpu.vector_store_idx %arg11[%shift_right_arithmetic3A_90, %and3A_93], %add3A_78 masked %not3A_94 : memref<32x16xi32, #tpu.memory_space<vmem>>[vector<16xi32>, vector<16xi32>], vector<16xi32>, vector<16xi1>
      %broadcast_in_dim3A_95 = vector.broadcast %scan3A_57 : i32 to vector<16xi32>
      %broadcast_in_dim3A_96 = arith.constant true
      %broadcast_in_dim3A_97 = vector.broadcast %broadcast_in_dim3A_96 : i1 to vector<16xi1>
      %masked_cumsum3A_98 = tpu.scan <sum>, %select_n3A masked %broadcast_in_dim3A_97 : vector<16xi32>, vector<16xi1> -> vector<16xi32>
      %add3A_99 = arith.addi %broadcast_in_dim3A_95, %masked_cumsum3A_98 : vector<16xi32>
      %broadcast_in_dim3A_100 = arith.constant 1 : i32
      %broadcast_in_dim3A_101 = vector.broadcast %broadcast_in_dim3A_100 : i32 to vector<16xi32>
      %sub3A_102 = arith.subi %add3A_99, %broadcast_in_dim3A_101 : vector<16xi32>
      %shift_right_arithmetic3A_103 = arith.constant 4 : i32
      %shift_right_arithmetic3A_104 = vector.broadcast %shift_right_arithmetic3A_103 : i32 to vector<16xi32>
      %shift_right_arithmetic3A_105 = arith.shrsi %sub3A_102, %shift_right_arithmetic3A_104 : vector<16xi32>
      %and3A_106 = arith.constant 15 : i32
      %and3A_107 = vector.broadcast %and3A_106 : i32 to vector<16xi32>
      %and3A_108 = arith.andi %sub3A_102, %and3A_107 : vector<16xi32>
      tpu.vector_store_idx %arg12[%shift_right_arithmetic3A_105, %and3A_108], %add3A_78 masked %and3A_68 : memref<32x16xi32, #tpu.memory_space<vmem>>[vector<16xi32>, vector<16xi32>], vector<16xi32>, vector<16xi1>
      %shift_right_arithmetic3A_109 = arith.constant 4 : i32
      %shift_right_arithmetic3A_110 = vector.broadcast %shift_right_arithmetic3A_109 : i32 to vector<16xi32>
      %shift_right_arithmetic3A_111 = arith.shrsi %sub3A_102, %shift_right_arithmetic3A_110 : vector<16xi32>
      %and3A_112 = arith.constant 15 : i32
      %and3A_113 = vector.broadcast %and3A_112 : i32 to vector<16xi32>
      %and3A_114 = arith.andi %sub3A_102, %and3A_113 : vector<16xi32>
      tpu.vector_store_idx %arg13[%shift_right_arithmetic3A_111, %and3A_114], %get3A_61 masked %and3A_68 : memref<32x16xi32, #tpu.memory_space<vmem>>[vector<16xi32>, vector<16xi32>], vector<16xi32>, vector<16xi1>
      %broadcast_in_dim3A_115 = arith.constant 1 : i32
      %broadcast_in_dim3A_116 = vector.broadcast %broadcast_in_dim3A_115 : i32 to vector<16xi32>
      %sub3A_117 = arith.subi %broadcast_in_dim3A_116, %select_n3A : vector<16xi32>
      %reduce_sum3A = arith.constant true
      %reduce_sum3A_118 = vector.broadcast %reduce_sum3A : i1 to vector<16xi1>
      %reduce_sum3A_119 = tpu.scan <sum>, %sub3A_117 masked %reduce_sum3A_118 : vector<16xi32>, vector<16xi1> -> vector<16xi32>
      %reduce_sum3A_120 = vector.extract %reduce_sum3A_119[15] : i32 from vector<16xi32>
      %add3A_121 = arith.addi %scan3A_56, %reduce_sum3A_120 : i32
      %reduce_sum3A_122 = arith.constant true
      %reduce_sum3A_123 = vector.broadcast %reduce_sum3A_122 : i1 to vector<16xi1>
      %reduce_sum3A_124 = tpu.scan <sum>, %select_n3A masked %reduce_sum3A_123 : vector<16xi32>, vector<16xi1> -> vector<16xi32>
      %reduce_sum3A_125 = vector.extract %reduce_sum3A_124[15] : i32 from vector<16xi32>
      %add3A_126 = arith.addi %scan3A_57, %reduce_sum3A_125 : i32
      scf.yield %add3A_121, %add3A_126 : i32, i32
    }
    %scan3A_15 = arith.constant 32 : i32
    %and3A = arith.constant 15 : i32
    %and3A_16 = arith.andi %scan3A_14#0, %and3A : i32
    %gt3A = arith.constant 0 : i32
    %gt3A_17 = arith.cmpi sgt, %scan3A_14#0, %gt3A : i32
    %ne3A = arith.constant 0 : i32
    %ne3A_18 = arith.cmpi ne, %and3A_16, %ne3A : i32
    %and3A_19 = arith.andi %gt3A_17, %ne3A_18 : i1
    %convert_element_type3A = arith.extui %and3A_19 : i1 to i32
    %cond3A = arith.constant 0 : i32
    %cond3A_20 = arith.cmpi ne, %convert_element_type3A, %cond3A : i32
    scf.if %cond3A_20 {
      %shift_right_arithmetic3A_55 = arith.constant 4 : i32
      %shift_right_arithmetic3A_56 = arith.shrsi %scan3A_14#0, %shift_right_arithmetic3A_55 : i32
      %broadcast_in_dim3A_57 = vector.broadcast %and3A_16 : i32 to vector<16xi32>
      %lt3A = arith.cmpi slt, %iota3A, %broadcast_in_dim3A_57 : vector<16xi32>
      %broadcast_in_dim3A_58 = arith.constant 0 : i32
      %broadcast_in_dim3A_59 = vector.broadcast %broadcast_in_dim3A_58 : i32 to vector<16xi32>
      %broadcast_in_dim3A_60 = arith.constant 0 : i32
      %broadcast_in_dim3A_61 = vector.broadcast %broadcast_in_dim3A_60 : i32 to vector<16xi32>
      %gather3A = tpu.vector_load_idx %arg11[%broadcast_in_dim3A_59, %broadcast_in_dim3A_61] : memref<32x16xi32, #tpu.memory_space<vmem>>[vector<16xi32>, vector<16xi32>], vector<16xi32>,
      %broadcast_in_dim3A_62 = vector.broadcast %shift_right_arithmetic3A_56 : i32 to vector<16xi32>
      %not3A = arith.constant dense<true> : vector<16xi1>
      %not3A_63 = arith.xori %lt3A, %not3A : vector<16xi1>
      tpu.vector_store_idx %arg11[%broadcast_in_dim3A_62, %iota3A], %gather3A masked %not3A_63 : memref<32x16xi32, #tpu.memory_space<vmem>>[vector<16xi32>, vector<16xi32>], vector<16xi32>, vector<16xi1>
    } else {
    }
    %and3A_21 = arith.constant 15 : i32
    %and3A_22 = arith.andi %scan3A_14#1, %and3A_21 : i32
    %gt3A_23 = arith.constant 0 : i32
    %gt3A_24 = arith.cmpi sgt, %scan3A_14#1, %gt3A_23 : i32
    %ne3A_25 = arith.constant 0 : i32
    %ne3A_26 = arith.cmpi ne, %and3A_22, %ne3A_25 : i32
    %and3A_27 = arith.andi %gt3A_24, %ne3A_26 : i1
    %convert_element_type3A_28 = arith.extui %and3A_27 : i1 to i32
    %cond3A_29 = arith.constant 0 : i32
    %cond3A_30 = arith.cmpi ne, %convert_element_type3A_28, %cond3A_29 : i32
    scf.if %cond3A_30 {
      %shift_right_arithmetic3A_55 = arith.constant 4 : i32
      %shift_right_arithmetic3A_56 = arith.shrsi %scan3A_14#1, %shift_right_arithmetic3A_55 : i32
      %broadcast_in_dim3A_57 = vector.broadcast %and3A_22 : i32 to vector<16xi32>
      %lt3A = arith.cmpi slt, %iota3A, %broadcast_in_dim3A_57 : vector<16xi32>
      %broadcast_in_dim3A_58 = arith.constant 0 : i32
      %broadcast_in_dim3A_59 = vector.broadcast %broadcast_in_dim3A_58 : i32 to vector<16xi32>
      %broadcast_in_dim3A_60 = arith.constant 0 : i32
      %broadcast_in_dim3A_61 = vector.broadcast %broadcast_in_dim3A_60 : i32 to vector<16xi32>
      %gather3A = tpu.vector_load_idx %arg12[%broadcast_in_dim3A_59, %broadcast_in_dim3A_61] : memref<32x16xi32, #tpu.memory_space<vmem>>[vector<16xi32>, vector<16xi32>], vector<16xi32>,
      %broadcast_in_dim3A_62 = vector.broadcast %shift_right_arithmetic3A_56 : i32 to vector<16xi32>
      %not3A = arith.constant dense<true> : vector<16xi1>
      %not3A_63 = arith.xori %lt3A, %not3A : vector<16xi1>
      tpu.vector_store_idx %arg12[%broadcast_in_dim3A_62, %iota3A], %gather3A masked %not3A_63 : memref<32x16xi32, #tpu.memory_space<vmem>>[vector<16xi32>, vector<16xi32>], vector<16xi32>, vector<16xi1>
      %broadcast_in_dim3A_64 = arith.constant 0 : i32
      %broadcast_in_dim3A_65 = vector.broadcast %broadcast_in_dim3A_64 : i32 to vector<16xi32>
      %broadcast_in_dim3A_66 = arith.constant 0 : i32
      %broadcast_in_dim3A_67 = vector.broadcast %broadcast_in_dim3A_66 : i32 to vector<16xi32>
      %gather3A_68 = tpu.vector_load_idx %arg13[%broadcast_in_dim3A_65, %broadcast_in_dim3A_67] : memref<32x16xi32, #tpu.memory_space<vmem>>[vector<16xi32>, vector<16xi32>], vector<16xi32>,
      %broadcast_in_dim3A_69 = vector.broadcast %shift_right_arithmetic3A_56 : i32 to vector<16xi32>
      %not3A_70 = arith.constant dense<true> : vector<16xi1>
      %not3A_71 = arith.xori %lt3A, %not3A_70 : vector<16xi1>
      tpu.vector_store_idx %arg13[%broadcast_in_dim3A_69, %iota3A], %gather3A_68 masked %not3A_71 : memref<32x16xi32, #tpu.memory_space<vmem>>[vector<16xi32>, vector<16xi32>], vector<16xi32>, vector<16xi1>
    } else {
    }
    %add3A_31 = arith.constant 15 : i32
    %add3A_32 = arith.addi %scan3A_14#0, %add3A_31 : i32
    %shift_right_arithmetic3A = arith.constant 4 : i32
    %shift_right_arithmetic3A_33 = arith.shrsi %add3A_32, %shift_right_arithmetic3A : i32
    %add3A_34 = arith.constant 15 : i32
    %add3A_35 = arith.addi %scan3A_14#1, %add3A_34 : i32
    %shift_right_arithmetic3A_36 = arith.constant 4 : i32
    %shift_right_arithmetic3A_37 = arith.shrsi %add3A_35, %shift_right_arithmetic3A_36 : i32
    %add3A_38 = arith.constant 1 : i32
    %add3A_39 = arith.addi %shift_right_arithmetic3A_33, %add3A_38 : i32
    %shift_right_arithmetic3A_40 = arith.constant 1 : i32
    %shift_right_arithmetic3A_41 = arith.shrsi %add3A_39, %shift_right_arithmetic3A_40 : i32
    %add3A_42 = arith.constant 1 : i32
    %add3A_43 = arith.addi %shift_right_arithmetic3A_37, %add3A_42 : i32
    %shift_right_arithmetic3A_44 = arith.constant 1 : i32
    %shift_right_arithmetic3A_45 = arith.shrsi %add3A_43, %shift_right_arithmetic3A_44 : i32
    %max3A = arith.maxsi %shift_right_arithmetic3A_41, %shift_right_arithmetic3A_45 : i32
    %while3A = arith.constant 0 : i32
    %while3A_46 = arith.constant 0 : i32
    %while3A_47 = arith.subi %max3A, %while3A_46 : i32
    %while3A_48 = arith.addi %while3A_46, %while3A_47 : i32
    %while3A_49 = arith.constant 1 : i32
    %while3A_50 = arith.divsi %while3A_47, %while3A_49 : i32
    %while3A_51 = arith.muli %while3A_50, %while3A_49 : i32
    %while3A_52 = arith.addi %while3A_46, %while3A_51 : i32
    %while3A_53 = arith.constant 1 : i32
    scf.for %while3A_55 = %while3A_46 to %while3A_52 step %while3A_53  : i32 {
      %mul3A_56 = arith.constant 2 : i32
      %mul3A_57 = arith.muli %while3A_55, %mul3A_56 : i32
      %add3A_58 = arith.constant 0 : i32
      %add3A_59 = arith.addi %mul3A_57, %add3A_58 : i32
      %lt3A = arith.cmpi slt, %add3A_59, %shift_right_arithmetic3A_33 : i32
      %convert_element_type3A_60 = arith.extui %lt3A : i1 to i32
      %cond3A_61 = arith.constant 0 : i32
      %cond3A_62 = arith.cmpi ne, %convert_element_type3A_60, %cond3A_61 : i32
      scf.if %cond3A_62 {
        %add3A_117 = arith.constant 0 : i32
        %add3A_118 = arith.addi %mul3A_57, %add3A_117 : i32
        %broadcast_in_dim3A_119 = vector.broadcast %add3A_118 : i32 to vector<16xi32>
        %iota3A_120 = tpu.iota {dimensions = array<i32: 0>} : vector<16xi32>
        %gather3A = tpu.vector_load_idx %arg11[%broadcast_in_dim3A_119, %iota3A_120] : memref<32x16xi32, #tpu.memory_space<vmem>>[vector<16xi32>, vector<16xi32>], vector<16xi32>,
        %dma_start3A = arith.constant 0 : i32
        %dma_start3A_121 = arith.constant 0 : i32
        %dma_start3A_122 = tpu.memref_slice %arg14[%dma_start3A, %dma_start3A_121] : memref<32x1024xf32, #tpu.memory_space<vmem>> -> memref<16x1024xf32, #tpu.memory_space<vmem>>
        %dma_start3A_123 = arith.constant 0 : i32
        %dma_start3A_124 = arith.constant 0 : i32
        %dma_start3A_125 = tpu.memref_slice %arg2[%dma_start3A_123, %dma_start3A_124] : memref<32768x1024xf32, #tpu.memory_space<hbm>> -> memref<32768x1024xf32, #tpu.memory_space<hbm>>
        tpu.enqueue_indirect_dma source(%dma_start3A_125 : memref<32768x1024xf32, #tpu.memory_space<hbm>>) target(%dma_start3A_122 : memref<16x1024xf32, #tpu.memory_space<vmem>>) offsets(%gather3A : vector<16xi32>) semaphore(%arg16 : memref<!tpu.dma_semaphore, #tpu.memory_space<semaphore_mem>>)
      } else {
      }
      %add3A_63 = arith.constant 1 : i32
      %add3A_64 = arith.addi %mul3A_57, %add3A_63 : i32
      %lt3A_65 = arith.cmpi slt, %add3A_64, %shift_right_arithmetic3A_33 : i32
      %convert_element_type3A_66 = arith.extui %lt3A_65 : i1 to i32
      %cond3A_67 = arith.constant 0 : i32
      %cond3A_68 = arith.cmpi ne, %convert_element_type3A_66, %cond3A_67 : i32
      scf.if %cond3A_68 {
        %add3A_117 = arith.constant 1 : i32
        %add3A_118 = arith.addi %mul3A_57, %add3A_117 : i32
        %broadcast_in_dim3A_119 = vector.broadcast %add3A_118 : i32 to vector<16xi32>
        %iota3A_120 = tpu.iota {dimensions = array<i32: 0>} : vector<16xi32>
        %gather3A = tpu.vector_load_idx %arg11[%broadcast_in_dim3A_119, %iota3A_120] : memref<32x16xi32, #tpu.memory_space<vmem>>[vector<16xi32>, vector<16xi32>], vector<16xi32>,
        %dma_start3A = arith.constant 16 : i32
        %dma_start3A_121 = arith.constant 0 : i32
        %dma_start3A_122 = tpu.memref_slice %arg14[%dma_start3A, %dma_start3A_121] : memref<32x1024xf32, #tpu.memory_space<vmem>> -> memref<16x1024xf32, #tpu.memory_space<vmem>>
        %dma_start3A_123 = arith.constant 0 : i32
        %dma_start3A_124 = arith.constant 0 : i32
        %dma_start3A_125 = tpu.memref_slice %arg2[%dma_start3A_123, %dma_start3A_124] : memref<32768x1024xf32, #tpu.memory_space<hbm>> -> memref<32768x1024xf32, #tpu.memory_space<hbm>>
        tpu.enqueue_indirect_dma source(%dma_start3A_125 : memref<32768x1024xf32, #tpu.memory_space<hbm>>) target(%dma_start3A_122 : memref<16x1024xf32, #tpu.memory_space<vmem>>) offsets(%gather3A : vector<16xi32>) semaphore(%arg16 : memref<!tpu.dma_semaphore, #tpu.memory_space<semaphore_mem>>)
      } else {
      }
      %add3A_69 = arith.constant 0 : i32
      %add3A_70 = arith.addi %mul3A_57, %add3A_69 : i32
      %lt3A_71 = arith.cmpi slt, %add3A_70, %shift_right_arithmetic3A_37 : i32
      %convert_element_type3A_72 = arith.extui %lt3A_71 : i1 to i32
      %cond3A_73 = arith.constant 0 : i32
      %cond3A_74 = arith.cmpi ne, %convert_element_type3A_72, %cond3A_73 : i32
      scf.if %cond3A_74 {
        %add3A_117 = arith.constant 0 : i32
        %add3A_118 = arith.addi %mul3A_57, %add3A_117 : i32
        %broadcast_in_dim3A_119 = vector.broadcast %add3A_118 : i32 to vector<16xi32>
        %iota3A_120 = tpu.iota {dimensions = array<i32: 0>} : vector<16xi32>
        %gather3A = tpu.vector_load_idx %arg13[%broadcast_in_dim3A_119, %iota3A_120] : memref<32x16xi32, #tpu.memory_space<vmem>>[vector<16xi32>, vector<16xi32>], vector<16xi32>,
        %jit3A = arith.constant 0 : i32
        %jit3A_121 = arith.constant 1023 : i32
        %max3A_122 = vector.broadcast %jit3A : i32 to vector<16xi32>
        %max3A_123 = arith.maxsi %max3A_122, %gather3A : vector<16xi32>
        %min3A = vector.broadcast %jit3A_121 : i32 to vector<16xi32>
        %min3A_124 = arith.minsi %min3A, %max3A_123 : vector<16xi32>
        %broadcast_in_dim3A_125 = arith.constant 0 : i32
        %broadcast_in_dim3A_126 = vector.broadcast %broadcast_in_dim3A_125 : i32 to vector<16xi32>
        %add3A_127 = arith.addi %broadcast_in_dim3A_126, %iota3A : vector<16xi32>
        tpu.vector_store_idx %arg15[%add3A_127, %min3A_124], %broadcast_in_dim3A_6 : memref<32x1024xf32, #tpu.memory_space<vmem>>[vector<16xi32>, vector<16xi32>], vector<16xf32>,
        %add3A_128 = arith.constant 0 : i32
        %add3A_129 = arith.addi %mul3A_57, %add3A_128 : i32
        %broadcast_in_dim3A_130 = vector.broadcast %add3A_129 : i32 to vector<16xi32>
        %iota3A_131 = tpu.iota {dimensions = array<i32: 0>} : vector<16xi32>
        %gather3A_132 = tpu.vector_load_idx %arg12[%broadcast_in_dim3A_130, %iota3A_131] : memref<32x16xi32, #tpu.memory_space<vmem>>[vector<16xi32>, vector<16xi32>], vector<16xi32>,
        %broadcast_in_dim3A_133 = arith.constant 16384 : i32
        %broadcast_in_dim3A_134 = vector.broadcast %broadcast_in_dim3A_133 : i32 to vector<16xi32>
        %sub3A = arith.subi %gather3A_132, %broadcast_in_dim3A_134 : vector<16xi32>
        %dma_start3A = arith.constant 0 : i32
        %dma_start3A_135 = arith.constant 0 : i32
        %dma_start3A_136 = tpu.memref_slice %arg15[%dma_start3A, %dma_start3A_135] : memref<32x1024xf32, #tpu.memory_space<vmem>> -> memref<16x1024xf32, #tpu.memory_space<vmem>>
        %dma_start3A_137 = arith.constant 0 : i32
        %dma_start3A_138 = arith.constant 0 : i32
        %dma_start3A_139 = tpu.memref_slice %arg7[%dma_start3A_137, %dma_start3A_138] : memref<16384x1024xf32, #tpu.memory_space<hbm>> -> memref<16384x1024xf32, #tpu.memory_space<hbm>>
        tpu.enqueue_indirect_dma source(%dma_start3A_136 : memref<16x1024xf32, #tpu.memory_space<vmem>>) target(%dma_start3A_139 : memref<16384x1024xf32, #tpu.memory_space<hbm>>) offsets(%sub3A : vector<16xi32>) semaphore(%arg18 : memref<!tpu.dma_semaphore, #tpu.memory_space<semaphore_mem>>)
      } else {
      }
      %add3A_75 = arith.constant 1 : i32
      %add3A_76 = arith.addi %mul3A_57, %add3A_75 : i32
      %lt3A_77 = arith.cmpi slt, %add3A_76, %shift_right_arithmetic3A_37 : i32
      %convert_element_type3A_78 = arith.extui %lt3A_77 : i1 to i32
      %cond3A_79 = arith.constant 0 : i32
      %cond3A_80 = arith.cmpi ne, %convert_element_type3A_78, %cond3A_79 : i32
      scf.if %cond3A_80 {
        %add3A_117 = arith.constant 1 : i32
        %add3A_118 = arith.addi %mul3A_57, %add3A_117 : i32
        %broadcast_in_dim3A_119 = vector.broadcast %add3A_118 : i32 to vector<16xi32>
        %iota3A_120 = tpu.iota {dimensions = array<i32: 0>} : vector<16xi32>
        %gather3A = tpu.vector_load_idx %arg13[%broadcast_in_dim3A_119, %iota3A_120] : memref<32x16xi32, #tpu.memory_space<vmem>>[vector<16xi32>, vector<16xi32>], vector<16xi32>,
        %jit3A = arith.constant 0 : i32
        %jit3A_121 = arith.constant 1023 : i32
        %max3A_122 = vector.broadcast %jit3A : i32 to vector<16xi32>
        %max3A_123 = arith.maxsi %max3A_122, %gather3A : vector<16xi32>
        %min3A = vector.broadcast %jit3A_121 : i32 to vector<16xi32>
        %min3A_124 = arith.minsi %min3A, %max3A_123 : vector<16xi32>
        %broadcast_in_dim3A_125 = arith.constant 16 : i32
        %broadcast_in_dim3A_126 = vector.broadcast %broadcast_in_dim3A_125 : i32 to vector<16xi32>
        %add3A_127 = arith.addi %broadcast_in_dim3A_126, %iota3A : vector<16xi32>
        tpu.vector_store_idx %arg15[%add3A_127, %min3A_124], %broadcast_in_dim3A_6 : memref<32x1024xf32, #tpu.memory_space<vmem>>[vector<16xi32>, vector<16xi32>], vector<16xf32>,
        %add3A_128 = arith.constant 1 : i32
        %add3A_129 = arith.addi %mul3A_57, %add3A_128 : i32
        %broadcast_in_dim3A_130 = vector.broadcast %add3A_129 : i32 to vector<16xi32>
        %iota3A_131 = tpu.iota {dimensions = array<i32: 0>} : vector<16xi32>
        %gather3A_132 = tpu.vector_load_idx %arg12[%broadcast_in_dim3A_130, %iota3A_131] : memref<32x16xi32, #tpu.memory_space<vmem>>[vector<16xi32>, vector<16xi32>], vector<16xi32>,
        %broadcast_in_dim3A_133 = arith.constant 16384 : i32
        %broadcast_in_dim3A_134 = vector.broadcast %broadcast_in_dim3A_133 : i32 to vector<16xi32>
        %sub3A = arith.subi %gather3A_132, %broadcast_in_dim3A_134 : vector<16xi32>
        %dma_start3A = arith.constant 16 : i32
        %dma_start3A_135 = arith.constant 0 : i32
        %dma_start3A_136 = tpu.memref_slice %arg15[%dma_start3A, %dma_start3A_135] : memref<32x1024xf32, #tpu.memory_space<vmem>> -> memref<16x1024xf32, #tpu.memory_space<vmem>>
        %dma_start3A_137 = arith.constant 0 : i32
        %dma_start3A_138 = arith.constant 0 : i32
        %dma_start3A_139 = tpu.memref_slice %arg7[%dma_start3A_137, %dma_start3A_138] : memref<16384x1024xf32, #tpu.memory_space<hbm>> -> memref<16384x1024xf32, #tpu.memory_space<hbm>>
        tpu.enqueue_indirect_dma source(%dma_start3A_136 : memref<16x1024xf32, #tpu.memory_space<vmem>>) target(%dma_start3A_139 : memref<16384x1024xf32, #tpu.memory_space<hbm>>) offsets(%sub3A : vector<16xi32>) semaphore(%arg18 : memref<!tpu.dma_semaphore, #tpu.memory_space<semaphore_mem>>)
      } else {
      }
      %add3A_81 = arith.constant 0 : i32
      %add3A_82 = arith.addi %mul3A_57, %add3A_81 : i32
      %lt3A_83 = arith.cmpi slt, %add3A_82, %shift_right_arithmetic3A_33 : i32
      %convert_element_type3A_84 = arith.extui %lt3A_83 : i1 to i32
      %cond3A_85 = arith.constant 0 : i32
      %cond3A_86 = arith.cmpi ne, %convert_element_type3A_84, %cond3A_85 : i32
      scf.if %cond3A_86 {
        %add3A_117 = arith.constant 0 : i32
        %add3A_118 = arith.addi %mul3A_57, %add3A_117 : i32
        %broadcast_in_dim3A_119 = vector.broadcast %add3A_118 : i32 to vector<16xi32>
        %iota3A_120 = tpu.iota {dimensions = array<i32: 0>} : vector<16xi32>
        %gather3A = tpu.vector_load_idx %arg11[%broadcast_in_dim3A_119, %iota3A_120] : memref<32x16xi32, #tpu.memory_space<vmem>>[vector<16xi32>, vector<16xi32>], vector<16xi32>,
        %dma_wait3A = arith.constant 0 : i32
        %dma_wait3A_121 = arith.constant 0 : i32
        %dma_wait3A_122 = tpu.memref_slice %arg14[%dma_wait3A, %dma_wait3A_121] : memref<32x1024xf32, #tpu.memory_space<vmem>> -> memref<16x1024xf32, #tpu.memory_space<vmem>>
        %dma_wait3A_123 = arith.constant 0 : i32
        %dma_wait3A_124 = arith.constant 0 : i32
        %dma_wait3A_125 = tpu.memref_slice %arg2[%dma_wait3A_123, %dma_wait3A_124] : memref<32768x1024xf32, #tpu.memory_space<hbm>> -> memref<32768x1024xf32, #tpu.memory_space<hbm>>
        tpu.wait_indirect_dma semaphore(%arg16 : memref<!tpu.dma_semaphore, #tpu.memory_space<semaphore_mem>>) src(%dma_wait3A_125 : memref<32768x1024xf32, #tpu.memory_space<hbm>>) dst(%dma_wait3A_122 : memref<16x1024xf32, #tpu.memory_space<vmem>>)
        %broadcast_in_dim3A_126 = arith.constant 16384 : i32
        %broadcast_in_dim3A_127 = vector.broadcast %broadcast_in_dim3A_126 : i32 to vector<16xi32>
        %sub3A = arith.subi %gather3A, %broadcast_in_dim3A_127 : vector<16xi32>
        %dma_start3A = arith.constant 0 : i32
        %dma_start3A_128 = arith.constant 0 : i32
        %dma_start3A_129 = tpu.memref_slice %arg14[%dma_start3A, %dma_start3A_128] : memref<32x1024xf32, #tpu.memory_space<vmem>> -> memref<16x1024xf32, #tpu.memory_space<vmem>>
        %dma_start3A_130 = arith.constant 0 : i32
        %dma_start3A_131 = arith.constant 0 : i32
        %dma_start3A_132 = tpu.memref_slice %arg7[%dma_start3A_130, %dma_start3A_131] : memref<16384x1024xf32, #tpu.memory_space<hbm>> -> memref<16384x1024xf32, #tpu.memory_space<hbm>>
        tpu.enqueue_indirect_dma source(%dma_start3A_129 : memref<16x1024xf32, #tpu.memory_space<vmem>>) target(%dma_start3A_132 : memref<16384x1024xf32, #tpu.memory_space<hbm>>) offsets(%sub3A : vector<16xi32>) semaphore(%arg17 : memref<!tpu.dma_semaphore, #tpu.memory_space<semaphore_mem>>)
      } else {
      }
      %add3A_87 = arith.constant 1 : i32
      %add3A_88 = arith.addi %mul3A_57, %add3A_87 : i32
      %lt3A_89 = arith.cmpi slt, %add3A_88, %shift_right_arithmetic3A_33 : i32
      %convert_element_type3A_90 = arith.extui %lt3A_89 : i1 to i32
      %cond3A_91 = arith.constant 0 : i32
      %cond3A_92 = arith.cmpi ne, %convert_element_type3A_90, %cond3A_91 : i32
      scf.if %cond3A_92 {
        %add3A_117 = arith.constant 1 : i32
        %add3A_118 = arith.addi %mul3A_57, %add3A_117 : i32
        %broadcast_in_dim3A_119 = vector.broadcast %add3A_118 : i32 to vector<16xi32>
        %iota3A_120 = tpu.iota {dimensions = array<i32: 0>} : vector<16xi32>
        %gather3A = tpu.vector_load_idx %arg11[%broadcast_in_dim3A_119, %iota3A_120] : memref<32x16xi32, #tpu.memory_space<vmem>>[vector<16xi32>, vector<16xi32>], vector<16xi32>,
        %dma_wait3A = arith.constant 16 : i32
        %dma_wait3A_121 = arith.constant 0 : i32
        %dma_wait3A_122 = tpu.memref_slice %arg14[%dma_wait3A, %dma_wait3A_121] : memref<32x1024xf32, #tpu.memory_space<vmem>> -> memref<16x1024xf32, #tpu.memory_space<vmem>>
        %dma_wait3A_123 = arith.constant 0 : i32
        %dma_wait3A_124 = arith.constant 0 : i32
        %dma_wait3A_125 = tpu.memref_slice %arg2[%dma_wait3A_123, %dma_wait3A_124] : memref<32768x1024xf32, #tpu.memory_space<hbm>> -> memref<32768x1024xf32, #tpu.memory_space<hbm>>
        tpu.wait_indirect_dma semaphore(%arg16 : memref<!tpu.dma_semaphore, #tpu.memory_space<semaphore_mem>>) src(%dma_wait3A_125 : memref<32768x1024xf32, #tpu.memory_space<hbm>>) dst(%dma_wait3A_122 : memref<16x1024xf32, #tpu.memory_space<vmem>>)
        %broadcast_in_dim3A_126 = arith.constant 16384 : i32
        %broadcast_in_dim3A_127 = vector.broadcast %broadcast_in_dim3A_126 : i32 to vector<16xi32>
        %sub3A = arith.subi %gather3A, %broadcast_in_dim3A_127 : vector<16xi32>
        %dma_start3A = arith.constant 16 : i32
        %dma_start3A_128 = arith.constant 0 : i32
        %dma_start3A_129 = tpu.memref_slice %arg14[%dma_start3A, %dma_start3A_128] : memref<32x1024xf32, #tpu.memory_space<vmem>> -> memref<16x1024xf32, #tpu.memory_space<vmem>>
        %dma_start3A_130 = arith.constant 0 : i32
        %dma_start3A_131 = arith.constant 0 : i32
        %dma_start3A_132 = tpu.memref_slice %arg7[%dma_start3A_130, %dma_start3A_131] : memref<16384x1024xf32, #tpu.memory_space<hbm>> -> memref<16384x1024xf32, #tpu.memory_space<hbm>>
        tpu.enqueue_indirect_dma source(%dma_start3A_129 : memref<16x1024xf32, #tpu.memory_space<vmem>>) target(%dma_start3A_132 : memref<16384x1024xf32, #tpu.memory_space<hbm>>) offsets(%sub3A : vector<16xi32>) semaphore(%arg17 : memref<!tpu.dma_semaphore, #tpu.memory_space<semaphore_mem>>)
      } else {
      }
      %add3A_93 = arith.constant 0 : i32
      %add3A_94 = arith.addi %mul3A_57, %add3A_93 : i32
      %lt3A_95 = arith.cmpi slt, %add3A_94, %shift_right_arithmetic3A_37 : i32
      %convert_element_type3A_96 = arith.extui %lt3A_95 : i1 to i32
      %cond3A_97 = arith.constant 0 : i32
      %cond3A_98 = arith.cmpi ne, %convert_element_type3A_96, %cond3A_97 : i32
      scf.if %cond3A_98 {
        %add3A_117 = arith.constant 0 : i32
        %add3A_118 = arith.addi %mul3A_57, %add3A_117 : i32
        %broadcast_in_dim3A_119 = vector.broadcast %add3A_118 : i32 to vector<16xi32>
        %iota3A_120 = tpu.iota {dimensions = array<i32: 0>} : vector<16xi32>
        %gather3A = tpu.vector_load_idx %arg12[%broadcast_in_dim3A_119, %iota3A_120] : memref<32x16xi32, #tpu.memory_space<vmem>>[vector<16xi32>, vector<16xi32>], vector<16xi32>,
        %broadcast_in_dim3A_121 = arith.constant 16384 : i32
        %broadcast_in_dim3A_122 = vector.broadcast %broadcast_in_dim3A_121 : i32 to vector<16xi32>
        %sub3A = arith.subi %gather3A, %broadcast_in_dim3A_122 : vector<16xi32>
        %dma_wait3A = arith.constant 0 : i32
        %dma_wait3A_123 = arith.constant 0 : i32
        %dma_wait3A_124 = tpu.memref_slice %arg15[%dma_wait3A, %dma_wait3A_123] : memref<32x1024xf32, #tpu.memory_space<vmem>> -> memref<16x1024xf32, #tpu.memory_space<vmem>>
        %dma_wait3A_125 = arith.constant 0 : i32
        %dma_wait3A_126 = arith.constant 0 : i32
        %dma_wait3A_127 = tpu.memref_slice %arg7[%dma_wait3A_125, %dma_wait3A_126] : memref<16384x1024xf32, #tpu.memory_space<hbm>> -> memref<16384x1024xf32, #tpu.memory_space<hbm>>
        tpu.wait_indirect_dma semaphore(%arg18 : memref<!tpu.dma_semaphore, #tpu.memory_space<semaphore_mem>>) src(%dma_wait3A_124 : memref<16x1024xf32, #tpu.memory_space<vmem>>) dst(%dma_wait3A_127 : memref<16384x1024xf32, #tpu.memory_space<hbm>>)
        %add3A_128 = arith.constant 0 : i32
        %add3A_129 = arith.addi %mul3A_57, %add3A_128 : i32
        %broadcast_in_dim3A_130 = vector.broadcast %add3A_129 : i32 to vector<16xi32>
        %iota3A_131 = tpu.iota {dimensions = array<i32: 0>} : vector<16xi32>
        %gather3A_132 = tpu.vector_load_idx %arg13[%broadcast_in_dim3A_130, %iota3A_131] : memref<32x16xi32, #tpu.memory_space<vmem>>[vector<16xi32>, vector<16xi32>], vector<16xi32>,
        %jit3A = arith.constant 0 : i32
        %jit3A_133 = arith.constant 1023 : i32
        %max3A_134 = vector.broadcast %jit3A : i32 to vector<16xi32>
        %max3A_135 = arith.maxsi %max3A_134, %gather3A_132 : vector<16xi32>
        %min3A = vector.broadcast %jit3A_133 : i32 to vector<16xi32>
        %min3A_136 = arith.minsi %min3A, %max3A_135 : vector<16xi32>
        %broadcast_in_dim3A_137 = arith.constant 0 : i32
        %broadcast_in_dim3A_138 = vector.broadcast %broadcast_in_dim3A_137 : i32 to vector<16xi32>
        %add3A_139 = arith.addi %broadcast_in_dim3A_138, %iota3A : vector<16xi32>
        tpu.vector_store_idx %arg15[%add3A_139, %min3A_136], %broadcast_in_dim3A_8 : memref<32x1024xf32, #tpu.memory_space<vmem>>[vector<16xi32>, vector<16xi32>], vector<16xf32>,
      } else {
      }
      %add3A_99 = arith.constant 1 : i32
      %add3A_100 = arith.addi %mul3A_57, %add3A_99 : i32
      %lt3A_101 = arith.cmpi slt, %add3A_100, %shift_right_arithmetic3A_37 : i32
      %convert_element_type3A_102 = arith.extui %lt3A_101 : i1 to i32
      %cond3A_103 = arith.constant 0 : i32
      %cond3A_104 = arith.cmpi ne, %convert_element_type3A_102, %cond3A_103 : i32
      scf.if %cond3A_104 {
        %add3A_117 = arith.constant 1 : i32
        %add3A_118 = arith.addi %mul3A_57, %add3A_117 : i32
        %broadcast_in_dim3A_119 = vector.broadcast %add3A_118 : i32 to vector<16xi32>
        %iota3A_120 = tpu.iota {dimensions = array<i32: 0>} : vector<16xi32>
        %gather3A = tpu.vector_load_idx %arg12[%broadcast_in_dim3A_119, %iota3A_120] : memref<32x16xi32, #tpu.memory_space<vmem>>[vector<16xi32>, vector<16xi32>], vector<16xi32>,
        %broadcast_in_dim3A_121 = arith.constant 16384 : i32
        %broadcast_in_dim3A_122 = vector.broadcast %broadcast_in_dim3A_121 : i32 to vector<16xi32>
        %sub3A = arith.subi %gather3A, %broadcast_in_dim3A_122 : vector<16xi32>
        %dma_wait3A = arith.constant 16 : i32
        %dma_wait3A_123 = arith.constant 0 : i32
        %dma_wait3A_124 = tpu.memref_slice %arg15[%dma_wait3A, %dma_wait3A_123] : memref<32x1024xf32, #tpu.memory_space<vmem>> -> memref<16x1024xf32, #tpu.memory_space<vmem>>
        %dma_wait3A_125 = arith.constant 0 : i32
        %dma_wait3A_126 = arith.constant 0 : i32
        %dma_wait3A_127 = tpu.memref_slice %arg7[%dma_wait3A_125, %dma_wait3A_126] : memref<16384x1024xf32, #tpu.memory_space<hbm>> -> memref<16384x1024xf32, #tpu.memory_space<hbm>>
        tpu.wait_indirect_dma semaphore(%arg18 : memref<!tpu.dma_semaphore, #tpu.memory_space<semaphore_mem>>) src(%dma_wait3A_124 : memref<16x1024xf32, #tpu.memory_space<vmem>>) dst(%dma_wait3A_127 : memref<16384x1024xf32, #tpu.memory_space<hbm>>)
        %add3A_128 = arith.constant 1 : i32
        %add3A_129 = arith.addi %mul3A_57, %add3A_128 : i32
        %broadcast_in_dim3A_130 = vector.broadcast %add3A_129 : i32 to vector<16xi32>
        %iota3A_131 = tpu.iota {dimensions = array<i32: 0>} : vector<16xi32>
        %gather3A_132 = tpu.vector_load_idx %arg13[%broadcast_in_dim3A_130, %iota3A_131] : memref<32x16xi32, #tpu.memory_space<vmem>>[vector<16xi32>, vector<16xi32>], vector<16xi32>,
        %jit3A = arith.constant 0 : i32
        %jit3A_133 = arith.constant 1023 : i32
        %max3A_134 = vector.broadcast %jit3A : i32 to vector<16xi32>
        %max3A_135 = arith.maxsi %max3A_134, %gather3A_132 : vector<16xi32>
        %min3A = vector.broadcast %jit3A_133 : i32 to vector<16xi32>
        %min3A_136 = arith.minsi %min3A, %max3A_135 : vector<16xi32>
        %broadcast_in_dim3A_137 = arith.constant 16 : i32
        %broadcast_in_dim3A_138 = vector.broadcast %broadcast_in_dim3A_137 : i32 to vector<16xi32>
        %add3A_139 = arith.addi %broadcast_in_dim3A_138, %iota3A : vector<16xi32>
        tpu.vector_store_idx %arg15[%add3A_139, %min3A_136], %broadcast_in_dim3A_8 : memref<32x1024xf32, #tpu.memory_space<vmem>>[vector<16xi32>, vector<16xi32>], vector<16xf32>,
      } else {
      }
      %add3A_105 = arith.constant 0 : i32
      %add3A_106 = arith.addi %mul3A_57, %add3A_105 : i32
      %lt3A_107 = arith.cmpi slt, %add3A_106, %shift_right_arithmetic3A_33 : i32
      %convert_element_type3A_108 = arith.extui %lt3A_107 : i1 to i32
      %cond3A_109 = arith.constant 0 : i32
      %cond3A_110 = arith.cmpi ne, %convert_element_type3A_108, %cond3A_109 : i32
      scf.if %cond3A_110 {
        %add3A_117 = arith.constant 0 : i32
        %add3A_118 = arith.addi %mul3A_57, %add3A_117 : i32
        %broadcast_in_dim3A_119 = vector.broadcast %add3A_118 : i32 to vector<16xi32>
        %iota3A_120 = tpu.iota {dimensions = array<i32: 0>} : vector<16xi32>
        %gather3A = tpu.vector_load_idx %arg11[%broadcast_in_dim3A_119, %iota3A_120] : memref<32x16xi32, #tpu.memory_space<vmem>>[vector<16xi32>, vector<16xi32>], vector<16xi32>,
        %broadcast_in_dim3A_121 = arith.constant 16384 : i32
        %broadcast_in_dim3A_122 = vector.broadcast %broadcast_in_dim3A_121 : i32 to vector<16xi32>
        %sub3A = arith.subi %gather3A, %broadcast_in_dim3A_122 : vector<16xi32>
        %dma_wait3A = arith.constant 0 : i32
        %dma_wait3A_123 = arith.constant 0 : i32
        %dma_wait3A_124 = tpu.memref_slice %arg14[%dma_wait3A, %dma_wait3A_123] : memref<32x1024xf32, #tpu.memory_space<vmem>> -> memref<16x1024xf32, #tpu.memory_space<vmem>>
        %dma_wait3A_125 = arith.constant 0 : i32
        %dma_wait3A_126 = arith.constant 0 : i32
        %dma_wait3A_127 = tpu.memref_slice %arg7[%dma_wait3A_125, %dma_wait3A_126] : memref<16384x1024xf32, #tpu.memory_space<hbm>> -> memref<16384x1024xf32, #tpu.memory_space<hbm>>
        tpu.wait_indirect_dma semaphore(%arg17 : memref<!tpu.dma_semaphore, #tpu.memory_space<semaphore_mem>>) src(%dma_wait3A_124 : memref<16x1024xf32, #tpu.memory_space<vmem>>) dst(%dma_wait3A_127 : memref<16384x1024xf32, #tpu.memory_space<hbm>>)
      } else {
      }
      %add3A_111 = arith.constant 1 : i32
      %add3A_112 = arith.addi %mul3A_57, %add3A_111 : i32
      %lt3A_113 = arith.cmpi slt, %add3A_112, %shift_right_arithmetic3A_33 : i32
      %convert_element_type3A_114 = arith.extui %lt3A_113 : i1 to i32
      %cond3A_115 = arith.constant 0 : i32
      %cond3A_116 = arith.cmpi ne, %convert_element_type3A_114, %cond3A_115 : i32
      scf.if %cond3A_116 {
        %add3A_117 = arith.constant 1 : i32
        %add3A_118 = arith.addi %mul3A_57, %add3A_117 : i32
        %broadcast_in_dim3A_119 = vector.broadcast %add3A_118 : i32 to vector<16xi32>
        %iota3A_120 = tpu.iota {dimensions = array<i32: 0>} : vector<16xi32>
        %gather3A = tpu.vector_load_idx %arg11[%broadcast_in_dim3A_119, %iota3A_120] : memref<32x16xi32, #tpu.memory_space<vmem>>[vector<16xi32>, vector<16xi32>], vector<16xi32>,
        %broadcast_in_dim3A_121 = arith.constant 16384 : i32
        %broadcast_in_dim3A_122 = vector.broadcast %broadcast_in_dim3A_121 : i32 to vector<16xi32>
        %sub3A = arith.subi %gather3A, %broadcast_in_dim3A_122 : vector<16xi32>
        %dma_wait3A = arith.constant 16 : i32
        %dma_wait3A_123 = arith.constant 0 : i32
        %dma_wait3A_124 = tpu.memref_slice %arg14[%dma_wait3A, %dma_wait3A_123] : memref<32x1024xf32, #tpu.memory_space<vmem>> -> memref<16x1024xf32, #tpu.memory_space<vmem>>
        %dma_wait3A_125 = arith.constant 0 : i32
        %dma_wait3A_126 = arith.constant 0 : i32
        %dma_wait3A_127 = tpu.memref_slice %arg7[%dma_wait3A_125, %dma_wait3A_126] : memref<16384x1024xf32, #tpu.memory_space<hbm>> -> memref<16384x1024xf32, #tpu.memory_space<hbm>>
        tpu.wait_indirect_dma semaphore(%arg17 : memref<!tpu.dma_semaphore, #tpu.memory_space<semaphore_mem>>) src(%dma_wait3A_124 : memref<16x1024xf32, #tpu.memory_space<vmem>>) dst(%dma_wait3A_127 : memref<16384x1024xf32, #tpu.memory_space<hbm>>)
      } else {
      }
    }
    %while3A_54 = arith.constant 1 : i32
    scf.for %while3A_55 = %while3A_52 to %while3A_48 step %while3A_54  : i32 {
      %mul3A_56 = arith.constant 2 : i32
      %mul3A_57 = arith.muli %while3A_55, %mul3A_56 : i32
      %add3A_58 = arith.constant 0 : i32
      %add3A_59 = arith.addi %mul3A_57, %add3A_58 : i32
      %lt3A = arith.cmpi slt, %add3A_59, %shift_right_arithmetic3A_33 : i32
      %convert_element_type3A_60 = arith.extui %lt3A : i1 to i32
      %cond3A_61 = arith.constant 0 : i32
      %cond3A_62 = arith.cmpi ne, %convert_element_type3A_60, %cond3A_61 : i32
      scf.if %cond3A_62 {
        %add3A_117 = arith.constant 0 : i32
        %add3A_118 = arith.addi %mul3A_57, %add3A_117 : i32
        %broadcast_in_dim3A_119 = vector.broadcast %add3A_118 : i32 to vector<16xi32>
        %iota3A_120 = tpu.iota {dimensions = array<i32: 0>} : vector<16xi32>
        %gather3A = tpu.vector_load_idx %arg11[%broadcast_in_dim3A_119, %iota3A_120] : memref<32x16xi32, #tpu.memory_space<vmem>>[vector<16xi32>, vector<16xi32>], vector<16xi32>,
        %dma_start3A = arith.constant 0 : i32
        %dma_start3A_121 = arith.constant 0 : i32
        %dma_start3A_122 = tpu.memref_slice %arg14[%dma_start3A, %dma_start3A_121] : memref<32x1024xf32, #tpu.memory_space<vmem>> -> memref<16x1024xf32, #tpu.memory_space<vmem>>
        %dma_start3A_123 = arith.constant 0 : i32
        %dma_start3A_124 = arith.constant 0 : i32
        %dma_start3A_125 = tpu.memref_slice %arg2[%dma_start3A_123, %dma_start3A_124] : memref<32768x1024xf32, #tpu.memory_space<hbm>> -> memref<32768x1024xf32, #tpu.memory_space<hbm>>
        tpu.enqueue_indirect_dma source(%dma_start3A_125 : memref<32768x1024xf32, #tpu.memory_space<hbm>>) target(%dma_start3A_122 : memref<16x1024xf32, #tpu.memory_space<vmem>>) offsets(%gather3A : vector<16xi32>) semaphore(%arg16 : memref<!tpu.dma_semaphore, #tpu.memory_space<semaphore_mem>>)
      } else {
      }
      %add3A_63 = arith.constant 1 : i32
      %add3A_64 = arith.addi %mul3A_57, %add3A_63 : i32
      %lt3A_65 = arith.cmpi slt, %add3A_64, %shift_right_arithmetic3A_33 : i32
      %convert_element_type3A_66 = arith.extui %lt3A_65 : i1 to i32
      %cond3A_67 = arith.constant 0 : i32
      %cond3A_68 = arith.cmpi ne, %convert_element_type3A_66, %cond3A_67 : i32
      scf.if %cond3A_68 {
        %add3A_117 = arith.constant 1 : i32
        %add3A_118 = arith.addi %mul3A_57, %add3A_117 : i32
        %broadcast_in_dim3A_119 = vector.broadcast %add3A_118 : i32 to vector<16xi32>
        %iota3A_120 = tpu.iota {dimensions = array<i32: 0>} : vector<16xi32>
        %gather3A = tpu.vector_load_idx %arg11[%broadcast_in_dim3A_119, %iota3A_120] : memref<32x16xi32, #tpu.memory_space<vmem>>[vector<16xi32>, vector<16xi32>], vector<16xi32>,
        %dma_start3A = arith.constant 16 : i32
        %dma_start3A_121 = arith.constant 0 : i32
        %dma_start3A_122 = tpu.memref_slice %arg14[%dma_start3A, %dma_start3A_121] : memref<32x1024xf32, #tpu.memory_space<vmem>> -> memref<16x1024xf32, #tpu.memory_space<vmem>>
        %dma_start3A_123 = arith.constant 0 : i32
        %dma_start3A_124 = arith.constant 0 : i32
        %dma_start3A_125 = tpu.memref_slice %arg2[%dma_start3A_123, %dma_start3A_124] : memref<32768x1024xf32, #tpu.memory_space<hbm>> -> memref<32768x1024xf32, #tpu.memory_space<hbm>>
        tpu.enqueue_indirect_dma source(%dma_start3A_125 : memref<32768x1024xf32, #tpu.memory_space<hbm>>) target(%dma_start3A_122 : memref<16x1024xf32, #tpu.memory_space<vmem>>) offsets(%gather3A : vector<16xi32>) semaphore(%arg16 : memref<!tpu.dma_semaphore, #tpu.memory_space<semaphore_mem>>)
      } else {
      }
      %add3A_69 = arith.constant 0 : i32
      %add3A_70 = arith.addi %mul3A_57, %add3A_69 : i32
      %lt3A_71 = arith.cmpi slt, %add3A_70, %shift_right_arithmetic3A_37 : i32
      %convert_element_type3A_72 = arith.extui %lt3A_71 : i1 to i32
      %cond3A_73 = arith.constant 0 : i32
      %cond3A_74 = arith.cmpi ne, %convert_element_type3A_72, %cond3A_73 : i32
      scf.if %cond3A_74 {
        %add3A_117 = arith.constant 0 : i32
        %add3A_118 = arith.addi %mul3A_57, %add3A_117 : i32
        %broadcast_in_dim3A_119 = vector.broadcast %add3A_118 : i32 to vector<16xi32>
        %iota3A_120 = tpu.iota {dimensions = array<i32: 0>} : vector<16xi32>
        %gather3A = tpu.vector_load_idx %arg13[%broadcast_in_dim3A_119, %iota3A_120] : memref<32x16xi32, #tpu.memory_space<vmem>>[vector<16xi32>, vector<16xi32>], vector<16xi32>,
        %jit3A = arith.constant 0 : i32
        %jit3A_121 = arith.constant 1023 : i32
        %max3A_122 = vector.broadcast %jit3A : i32 to vector<16xi32>
        %max3A_123 = arith.maxsi %max3A_122, %gather3A : vector<16xi32>
        %min3A = vector.broadcast %jit3A_121 : i32 to vector<16xi32>
        %min3A_124 = arith.minsi %min3A, %max3A_123 : vector<16xi32>
        %broadcast_in_dim3A_125 = arith.constant 0 : i32
        %broadcast_in_dim3A_126 = vector.broadcast %broadcast_in_dim3A_125 : i32 to vector<16xi32>
        %add3A_127 = arith.addi %broadcast_in_dim3A_126, %iota3A : vector<16xi32>
        tpu.vector_store_idx %arg15[%add3A_127, %min3A_124], %broadcast_in_dim3A_6 : memref<32x1024xf32, #tpu.memory_space<vmem>>[vector<16xi32>, vector<16xi32>], vector<16xf32>,
        %add3A_128 = arith.constant 0 : i32
        %add3A_129 = arith.addi %mul3A_57, %add3A_128 : i32
        %broadcast_in_dim3A_130 = vector.broadcast %add3A_129 : i32 to vector<16xi32>
        %iota3A_131 = tpu.iota {dimensions = array<i32: 0>} : vector<16xi32>
        %gather3A_132 = tpu.vector_load_idx %arg12[%broadcast_in_dim3A_130, %iota3A_131] : memref<32x16xi32, #tpu.memory_space<vmem>>[vector<16xi32>, vector<16xi32>], vector<16xi32>,
        %broadcast_in_dim3A_133 = arith.constant 16384 : i32
        %broadcast_in_dim3A_134 = vector.broadcast %broadcast_in_dim3A_133 : i32 to vector<16xi32>
        %sub3A = arith.subi %gather3A_132, %broadcast_in_dim3A_134 : vector<16xi32>
        %dma_start3A = arith.constant 0 : i32
        %dma_start3A_135 = arith.constant 0 : i32
        %dma_start3A_136 = tpu.memref_slice %arg15[%dma_start3A, %dma_start3A_135] : memref<32x1024xf32, #tpu.memory_space<vmem>> -> memref<16x1024xf32, #tpu.memory_space<vmem>>
        %dma_start3A_137 = arith.constant 0 : i32
        %dma_start3A_138 = arith.constant 0 : i32
        %dma_start3A_139 = tpu.memref_slice %arg7[%dma_start3A_137, %dma_start3A_138] : memref<16384x1024xf32, #tpu.memory_space<hbm>> -> memref<16384x1024xf32, #tpu.memory_space<hbm>>
        tpu.enqueue_indirect_dma source(%dma_start3A_136 : memref<16x1024xf32, #tpu.memory_space<vmem>>) target(%dma_start3A_139 : memref<16384x1024xf32, #tpu.memory_space<hbm>>) offsets(%sub3A : vector<16xi32>) semaphore(%arg18 : memref<!tpu.dma_semaphore, #tpu.memory_space<semaphore_mem>>)
      } else {
      }
      %add3A_75 = arith.constant 1 : i32
      %add3A_76 = arith.addi %mul3A_57, %add3A_75 : i32
      %lt3A_77 = arith.cmpi slt, %add3A_76, %shift_right_arithmetic3A_37 : i32
      %convert_element_type3A_78 = arith.extui %lt3A_77 : i1 to i32
      %cond3A_79 = arith.constant 0 : i32
      %cond3A_80 = arith.cmpi ne, %convert_element_type3A_78, %cond3A_79 : i32
      scf.if %cond3A_80 {
        %add3A_117 = arith.constant 1 : i32
        %add3A_118 = arith.addi %mul3A_57, %add3A_117 : i32
        %broadcast_in_dim3A_119 = vector.broadcast %add3A_118 : i32 to vector<16xi32>
        %iota3A_120 = tpu.iota {dimensions = array<i32: 0>} : vector<16xi32>
        %gather3A = tpu.vector_load_idx %arg13[%broadcast_in_dim3A_119, %iota3A_120] : memref<32x16xi32, #tpu.memory_space<vmem>>[vector<16xi32>, vector<16xi32>], vector<16xi32>,
        %jit3A = arith.constant 0 : i32
        %jit3A_121 = arith.constant 1023 : i32
        %max3A_122 = vector.broadcast %jit3A : i32 to vector<16xi32>
        %max3A_123 = arith.maxsi %max3A_122, %gather3A : vector<16xi32>
        %min3A = vector.broadcast %jit3A_121 : i32 to vector<16xi32>
        %min3A_124 = arith.minsi %min3A, %max3A_123 : vector<16xi32>
        %broadcast_in_dim3A_125 = arith.constant 16 : i32
        %broadcast_in_dim3A_126 = vector.broadcast %broadcast_in_dim3A_125 : i32 to vector<16xi32>
        %add3A_127 = arith.addi %broadcast_in_dim3A_126, %iota3A : vector<16xi32>
        tpu.vector_store_idx %arg15[%add3A_127, %min3A_124], %broadcast_in_dim3A_6 : memref<32x1024xf32, #tpu.memory_space<vmem>>[vector<16xi32>, vector<16xi32>], vector<16xf32>,
        %add3A_128 = arith.constant 1 : i32
        %add3A_129 = arith.addi %mul3A_57, %add3A_128 : i32
        %broadcast_in_dim3A_130 = vector.broadcast %add3A_129 : i32 to vector<16xi32>
        %iota3A_131 = tpu.iota {dimensions = array<i32: 0>} : vector<16xi32>
        %gather3A_132 = tpu.vector_load_idx %arg12[%broadcast_in_dim3A_130, %iota3A_131] : memref<32x16xi32, #tpu.memory_space<vmem>>[vector<16xi32>, vector<16xi32>], vector<16xi32>,
        %broadcast_in_dim3A_133 = arith.constant 16384 : i32
        %broadcast_in_dim3A_134 = vector.broadcast %broadcast_in_dim3A_133 : i32 to vector<16xi32>
        %sub3A = arith.subi %gather3A_132, %broadcast_in_dim3A_134 : vector<16xi32>
        %dma_start3A = arith.constant 16 : i32
        %dma_start3A_135 = arith.constant 0 : i32
        %dma_start3A_136 = tpu.memref_slice %arg15[%dma_start3A, %dma_start3A_135] : memref<32x1024xf32, #tpu.memory_space<vmem>> -> memref<16x1024xf32, #tpu.memory_space<vmem>>
        %dma_start3A_137 = arith.constant 0 : i32
        %dma_start3A_138 = arith.constant 0 : i32
        %dma_start3A_139 = tpu.memref_slice %arg7[%dma_start3A_137, %dma_start3A_138] : memref<16384x1024xf32, #tpu.memory_space<hbm>> -> memref<16384x1024xf32, #tpu.memory_space<hbm>>
        tpu.enqueue_indirect_dma source(%dma_start3A_136 : memref<16x1024xf32, #tpu.memory_space<vmem>>) target(%dma_start3A_139 : memref<16384x1024xf32, #tpu.memory_space<hbm>>) offsets(%sub3A : vector<16xi32>) semaphore(%arg18 : memref<!tpu.dma_semaphore, #tpu.memory_space<semaphore_mem>>)
      } else {
      }
      %add3A_81 = arith.constant 0 : i32
      %add3A_82 = arith.addi %mul3A_57, %add3A_81 : i32
      %lt3A_83 = arith.cmpi slt, %add3A_82, %shift_right_arithmetic3A_33 : i32
      %convert_element_type3A_84 = arith.extui %lt3A_83 : i1 to i32
      %cond3A_85 = arith.constant 0 : i32
      %cond3A_86 = arith.cmpi ne, %convert_element_type3A_84, %cond3A_85 : i32
      scf.if %cond3A_86 {
        %add3A_117 = arith.constant 0 : i32
        %add3A_118 = arith.addi %mul3A_57, %add3A_117 : i32
        %broadcast_in_dim3A_119 = vector.broadcast %add3A_118 : i32 to vector<16xi32>
        %iota3A_120 = tpu.iota {dimensions = array<i32: 0>} : vector<16xi32>
        %gather3A = tpu.vector_load_idx %arg11[%broadcast_in_dim3A_119, %iota3A_120] : memref<32x16xi32, #tpu.memory_space<vmem>>[vector<16xi32>, vector<16xi32>], vector<16xi32>,
        %dma_wait3A = arith.constant 0 : i32
        %dma_wait3A_121 = arith.constant 0 : i32
        %dma_wait3A_122 = tpu.memref_slice %arg14[%dma_wait3A, %dma_wait3A_121] : memref<32x1024xf32, #tpu.memory_space<vmem>> -> memref<16x1024xf32, #tpu.memory_space<vmem>>
        %dma_wait3A_123 = arith.constant 0 : i32
        %dma_wait3A_124 = arith.constant 0 : i32
        %dma_wait3A_125 = tpu.memref_slice %arg2[%dma_wait3A_123, %dma_wait3A_124] : memref<32768x1024xf32, #tpu.memory_space<hbm>> -> memref<32768x1024xf32, #tpu.memory_space<hbm>>
        tpu.wait_indirect_dma semaphore(%arg16 : memref<!tpu.dma_semaphore, #tpu.memory_space<semaphore_mem>>) src(%dma_wait3A_125 : memref<32768x1024xf32, #tpu.memory_space<hbm>>) dst(%dma_wait3A_122 : memref<16x1024xf32, #tpu.memory_space<vmem>>)
        %broadcast_in_dim3A_126 = arith.constant 16384 : i32
        %broadcast_in_dim3A_127 = vector.broadcast %broadcast_in_dim3A_126 : i32 to vector<16xi32>
        %sub3A = arith.subi %gather3A, %broadcast_in_dim3A_127 : vector<16xi32>
        %dma_start3A = arith.constant 0 : i32
        %dma_start3A_128 = arith.constant 0 : i32
        %dma_start3A_129 = tpu.memref_slice %arg14[%dma_start3A, %dma_start3A_128] : memref<32x1024xf32, #tpu.memory_space<vmem>> -> memref<16x1024xf32, #tpu.memory_space<vmem>>
        %dma_start3A_130 = arith.constant 0 : i32
        %dma_start3A_131 = arith.constant 0 : i32
        %dma_start3A_132 = tpu.memref_slice %arg7[%dma_start3A_130, %dma_start3A_131] : memref<16384x1024xf32, #tpu.memory_space<hbm>> -> memref<16384x1024xf32, #tpu.memory_space<hbm>>
        tpu.enqueue_indirect_dma source(%dma_start3A_129 : memref<16x1024xf32, #tpu.memory_space<vmem>>) target(%dma_start3A_132 : memref<16384x1024xf32, #tpu.memory_space<hbm>>) offsets(%sub3A : vector<16xi32>) semaphore(%arg17 : memref<!tpu.dma_semaphore, #tpu.memory_space<semaphore_mem>>)
      } else {
      }
      %add3A_87 = arith.constant 1 : i32
      %add3A_88 = arith.addi %mul3A_57, %add3A_87 : i32
      %lt3A_89 = arith.cmpi slt, %add3A_88, %shift_right_arithmetic3A_33 : i32
      %convert_element_type3A_90 = arith.extui %lt3A_89 : i1 to i32
      %cond3A_91 = arith.constant 0 : i32
      %cond3A_92 = arith.cmpi ne, %convert_element_type3A_90, %cond3A_91 : i32
      scf.if %cond3A_92 {
        %add3A_117 = arith.constant 1 : i32
        %add3A_118 = arith.addi %mul3A_57, %add3A_117 : i32
        %broadcast_in_dim3A_119 = vector.broadcast %add3A_118 : i32 to vector<16xi32>
        %iota3A_120 = tpu.iota {dimensions = array<i32: 0>} : vector<16xi32>
        %gather3A = tpu.vector_load_idx %arg11[%broadcast_in_dim3A_119, %iota3A_120] : memref<32x16xi32, #tpu.memory_space<vmem>>[vector<16xi32>, vector<16xi32>], vector<16xi32>,
        %dma_wait3A = arith.constant 16 : i32
        %dma_wait3A_121 = arith.constant 0 : i32
        %dma_wait3A_122 = tpu.memref_slice %arg14[%dma_wait3A, %dma_wait3A_121] : memref<32x1024xf32, #tpu.memory_space<vmem>> -> memref<16x1024xf32, #tpu.memory_space<vmem>>
        %dma_wait3A_123 = arith.constant 0 : i32
        %dma_wait3A_124 = arith.constant 0 : i32
        %dma_wait3A_125 = tpu.memref_slice %arg2[%dma_wait3A_123, %dma_wait3A_124] : memref<32768x1024xf32, #tpu.memory_space<hbm>> -> memref<32768x1024xf32, #tpu.memory_space<hbm>>
        tpu.wait_indirect_dma semaphore(%arg16 : memref<!tpu.dma_semaphore, #tpu.memory_space<semaphore_mem>>) src(%dma_wait3A_125 : memref<32768x1024xf32, #tpu.memory_space<hbm>>) dst(%dma_wait3A_122 : memref<16x1024xf32, #tpu.memory_space<vmem>>)
        %broadcast_in_dim3A_126 = arith.constant 16384 : i32
        %broadcast_in_dim3A_127 = vector.broadcast %broadcast_in_dim3A_126 : i32 to vector<16xi32>
        %sub3A = arith.subi %gather3A, %broadcast_in_dim3A_127 : vector<16xi32>
        %dma_start3A = arith.constant 16 : i32
        %dma_start3A_128 = arith.constant 0 : i32
        %dma_start3A_129 = tpu.memref_slice %arg14[%dma_start3A, %dma_start3A_128] : memref<32x1024xf32, #tpu.memory_space<vmem>> -> memref<16x1024xf32, #tpu.memory_space<vmem>>
        %dma_start3A_130 = arith.constant 0 : i32
        %dma_start3A_131 = arith.constant 0 : i32
        %dma_start3A_132 = tpu.memref_slice %arg7[%dma_start3A_130, %dma_start3A_131] : memref<16384x1024xf32, #tpu.memory_space<hbm>> -> memref<16384x1024xf32, #tpu.memory_space<hbm>>
        tpu.enqueue_indirect_dma source(%dma_start3A_129 : memref<16x1024xf32, #tpu.memory_space<vmem>>) target(%dma_start3A_132 : memref<16384x1024xf32, #tpu.memory_space<hbm>>) offsets(%sub3A : vector<16xi32>) semaphore(%arg17 : memref<!tpu.dma_semaphore, #tpu.memory_space<semaphore_mem>>)
      } else {
      }
      %add3A_93 = arith.constant 0 : i32
      %add3A_94 = arith.addi %mul3A_57, %add3A_93 : i32
      %lt3A_95 = arith.cmpi slt, %add3A_94, %shift_right_arithmetic3A_37 : i32
      %convert_element_type3A_96 = arith.extui %lt3A_95 : i1 to i32
      %cond3A_97 = arith.constant 0 : i32
      %cond3A_98 = arith.cmpi ne, %convert_element_type3A_96, %cond3A_97 : i32
      scf.if %cond3A_98 {
        %add3A_117 = arith.constant 0 : i32
        %add3A_118 = arith.addi %mul3A_57, %add3A_117 : i32
        %broadcast_in_dim3A_119 = vector.broadcast %add3A_118 : i32 to vector<16xi32>
        %iota3A_120 = tpu.iota {dimensions = array<i32: 0>} : vector<16xi32>
        %gather3A = tpu.vector_load_idx %arg12[%broadcast_in_dim3A_119, %iota3A_120] : memref<32x16xi32, #tpu.memory_space<vmem>>[vector<16xi32>, vector<16xi32>], vector<16xi32>,
        %broadcast_in_dim3A_121 = arith.constant 16384 : i32
        %broadcast_in_dim3A_122 = vector.broadcast %broadcast_in_dim3A_121 : i32 to vector<16xi32>
        %sub3A = arith.subi %gather3A, %broadcast_in_dim3A_122 : vector<16xi32>
        %dma_wait3A = arith.constant 0 : i32
        %dma_wait3A_123 = arith.constant 0 : i32
        %dma_wait3A_124 = tpu.memref_slice %arg15[%dma_wait3A, %dma_wait3A_123] : memref<32x1024xf32, #tpu.memory_space<vmem>> -> memref<16x1024xf32, #tpu.memory_space<vmem>>
        %dma_wait3A_125 = arith.constant 0 : i32
        %dma_wait3A_126 = arith.constant 0 : i32
        %dma_wait3A_127 = tpu.memref_slice %arg7[%dma_wait3A_125, %dma_wait3A_126] : memref<16384x1024xf32, #tpu.memory_space<hbm>> -> memref<16384x1024xf32, #tpu.memory_space<hbm>>
        tpu.wait_indirect_dma semaphore(%arg18 : memref<!tpu.dma_semaphore, #tpu.memory_space<semaphore_mem>>) src(%dma_wait3A_124 : memref<16x1024xf32, #tpu.memory_space<vmem>>) dst(%dma_wait3A_127 : memref<16384x1024xf32, #tpu.memory_space<hbm>>)
        %add3A_128 = arith.constant 0 : i32
        %add3A_129 = arith.addi %mul3A_57, %add3A_128 : i32
        %broadcast_in_dim3A_130 = vector.broadcast %add3A_129 : i32 to vector<16xi32>
        %iota3A_131 = tpu.iota {dimensions = array<i32: 0>} : vector<16xi32>
        %gather3A_132 = tpu.vector_load_idx %arg13[%broadcast_in_dim3A_130, %iota3A_131] : memref<32x16xi32, #tpu.memory_space<vmem>>[vector<16xi32>, vector<16xi32>], vector<16xi32>,
        %jit3A = arith.constant 0 : i32
        %jit3A_133 = arith.constant 1023 : i32
        %max3A_134 = vector.broadcast %jit3A : i32 to vector<16xi32>
        %max3A_135 = arith.maxsi %max3A_134, %gather3A_132 : vector<16xi32>
        %min3A = vector.broadcast %jit3A_133 : i32 to vector<16xi32>
        %min3A_136 = arith.minsi %min3A, %max3A_135 : vector<16xi32>
        %broadcast_in_dim3A_137 = arith.constant 0 : i32
        %broadcast_in_dim3A_138 = vector.broadcast %broadcast_in_dim3A_137 : i32 to vector<16xi32>
        %add3A_139 = arith.addi %broadcast_in_dim3A_138, %iota3A : vector<16xi32>
        tpu.vector_store_idx %arg15[%add3A_139, %min3A_136], %broadcast_in_dim3A_8 : memref<32x1024xf32, #tpu.memory_space<vmem>>[vector<16xi32>, vector<16xi32>], vector<16xf32>,
      } else {
      }
      %add3A_99 = arith.constant 1 : i32
      %add3A_100 = arith.addi %mul3A_57, %add3A_99 : i32
      %lt3A_101 = arith.cmpi slt, %add3A_100, %shift_right_arithmetic3A_37 : i32
      %convert_element_type3A_102 = arith.extui %lt3A_101 : i1 to i32
      %cond3A_103 = arith.constant 0 : i32
      %cond3A_104 = arith.cmpi ne, %convert_element_type3A_102, %cond3A_103 : i32
      scf.if %cond3A_104 {
        %add3A_117 = arith.constant 1 : i32
        %add3A_118 = arith.addi %mul3A_57, %add3A_117 : i32
        %broadcast_in_dim3A_119 = vector.broadcast %add3A_118 : i32 to vector<16xi32>
        %iota3A_120 = tpu.iota {dimensions = array<i32: 0>} : vector<16xi32>
        %gather3A = tpu.vector_load_idx %arg12[%broadcast_in_dim3A_119, %iota3A_120] : memref<32x16xi32, #tpu.memory_space<vmem>>[vector<16xi32>, vector<16xi32>], vector<16xi32>,
        %broadcast_in_dim3A_121 = arith.constant 16384 : i32
        %broadcast_in_dim3A_122 = vector.broadcast %broadcast_in_dim3A_121 : i32 to vector<16xi32>
        %sub3A = arith.subi %gather3A, %broadcast_in_dim3A_122 : vector<16xi32>
        %dma_wait3A = arith.constant 16 : i32
        %dma_wait3A_123 = arith.constant 0 : i32
        %dma_wait3A_124 = tpu.memref_slice %arg15[%dma_wait3A, %dma_wait3A_123] : memref<32x1024xf32, #tpu.memory_space<vmem>> -> memref<16x1024xf32, #tpu.memory_space<vmem>>
        %dma_wait3A_125 = arith.constant 0 : i32
        %dma_wait3A_126 = arith.constant 0 : i32
        %dma_wait3A_127 = tpu.memref_slice %arg7[%dma_wait3A_125, %dma_wait3A_126] : memref<16384x1024xf32, #tpu.memory_space<hbm>> -> memref<16384x1024xf32, #tpu.memory_space<hbm>>
        tpu.wait_indirect_dma semaphore(%arg18 : memref<!tpu.dma_semaphore, #tpu.memory_space<semaphore_mem>>) src(%dma_wait3A_124 : memref<16x1024xf32, #tpu.memory_space<vmem>>) dst(%dma_wait3A_127 : memref<16384x1024xf32, #tpu.memory_space<hbm>>)
        %add3A_128 = arith.constant 1 : i32
        %add3A_129 = arith.addi %mul3A_57, %add3A_128 : i32
        %broadcast_in_dim3A_130 = vector.broadcast %add3A_129 : i32 to vector<16xi32>
        %iota3A_131 = tpu.iota {dimensions = array<i32: 0>} : vector<16xi32>
        %gather3A_132 = tpu.vector_load_idx %arg13[%broadcast_in_dim3A_130, %iota3A_131] : memref<32x16xi32, #tpu.memory_space<vmem>>[vector<16xi32>, vector<16xi32>], vector<16xi32>,
        %jit3A = arith.constant 0 : i32
        %jit3A_133 = arith.constant 1023 : i32
        %max3A_134 = vector.broadcast %jit3A : i32 to vector<16xi32>
        %max3A_135 = arith.maxsi %max3A_134, %gather3A_132 : vector<16xi32>
        %min3A = vector.broadcast %jit3A_133 : i32 to vector<16xi32>
        %min3A_136 = arith.minsi %min3A, %max3A_135 : vector<16xi32>
        %broadcast_in_dim3A_137 = arith.constant 16 : i32
        %broadcast_in_dim3A_138 = vector.broadcast %broadcast_in_dim3A_137 : i32 to vector<16xi32>
        %add3A_139 = arith.addi %broadcast_in_dim3A_138, %iota3A : vector<16xi32>
        tpu.vector_store_idx %arg15[%add3A_139, %min3A_136], %broadcast_in_dim3A_8 : memref<32x1024xf32, #tpu.memory_space<vmem>>[vector<16xi32>, vector<16xi32>], vector<16xf32>,
      } else {
      }
      %add3A_105 = arith.constant 0 : i32
      %add3A_106 = arith.addi %mul3A_57, %add3A_105 : i32
      %lt3A_107 = arith.cmpi slt, %add3A_106, %shift_right_arithmetic3A_33 : i32
      %convert_element_type3A_108 = arith.extui %lt3A_107 : i1 to i32
      %cond3A_109 = arith.constant 0 : i32
      %cond3A_110 = arith.cmpi ne, %convert_element_type3A_108, %cond3A_109 : i32
      scf.if %cond3A_110 {
        %add3A_117 = arith.constant 0 : i32
        %add3A_118 = arith.addi %mul3A_57, %add3A_117 : i32
        %broadcast_in_dim3A_119 = vector.broadcast %add3A_118 : i32 to vector<16xi32>
        %iota3A_120 = tpu.iota {dimensions = array<i32: 0>} : vector<16xi32>
        %gather3A = tpu.vector_load_idx %arg11[%broadcast_in_dim3A_119, %iota3A_120] : memref<32x16xi32, #tpu.memory_space<vmem>>[vector<16xi32>, vector<16xi32>], vector<16xi32>,
        %broadcast_in_dim3A_121 = arith.constant 16384 : i32
        %broadcast_in_dim3A_122 = vector.broadcast %broadcast_in_dim3A_121 : i32 to vector<16xi32>
        %sub3A = arith.subi %gather3A, %broadcast_in_dim3A_122 : vector<16xi32>
        %dma_wait3A = arith.constant 0 : i32
        %dma_wait3A_123 = arith.constant 0 : i32
        %dma_wait3A_124 = tpu.memref_slice %arg14[%dma_wait3A, %dma_wait3A_123] : memref<32x1024xf32, #tpu.memory_space<vmem>> -> memref<16x1024xf32, #tpu.memory_space<vmem>>
        %dma_wait3A_125 = arith.constant 0 : i32
        %dma_wait3A_126 = arith.constant 0 : i32
        %dma_wait3A_127 = tpu.memref_slice %arg7[%dma_wait3A_125, %dma_wait3A_126] : memref<16384x1024xf32, #tpu.memory_space<hbm>> -> memref<16384x1024xf32, #tpu.memory_space<hbm>>
        tpu.wait_indirect_dma semaphore(%arg17 : memref<!tpu.dma_semaphore, #tpu.memory_space<semaphore_mem>>) src(%dma_wait3A_124 : memref<16x1024xf32, #tpu.memory_space<vmem>>) dst(%dma_wait3A_127 : memref<16384x1024xf32, #tpu.memory_space<hbm>>)
      } else {
      }
      %add3A_111 = arith.constant 1 : i32
      %add3A_112 = arith.addi %mul3A_57, %add3A_111 : i32
      %lt3A_113 = arith.cmpi slt, %add3A_112, %shift_right_arithmetic3A_33 : i32
      %convert_element_type3A_114 = arith.extui %lt3A_113 : i1 to i32
      %cond3A_115 = arith.constant 0 : i32
      %cond3A_116 = arith.cmpi ne, %convert_element_type3A_114, %cond3A_115 : i32
      scf.if %cond3A_116 {
        %add3A_117 = arith.constant 1 : i32
        %add3A_118 = arith.addi %mul3A_57, %add3A_117 : i32
        %broadcast_in_dim3A_119 = vector.broadcast %add3A_118 : i32 to vector<16xi32>
        %iota3A_120 = tpu.iota {dimensions = array<i32: 0>} : vector<16xi32>
        %gather3A = tpu.vector_load_idx %arg11[%broadcast_in_dim3A_119, %iota3A_120] : memref<32x16xi32, #tpu.memory_space<vmem>>[vector<16xi32>, vector<16xi32>], vector<16xi32>,
        %broadcast_in_dim3A_121 = arith.constant 16384 : i32
        %broadcast_in_dim3A_122 = vector.broadcast %broadcast_in_dim3A_121 : i32 to vector<16xi32>
        %sub3A = arith.subi %gather3A, %broadcast_in_dim3A_122 : vector<16xi32>
        %dma_wait3A = arith.constant 16 : i32
        %dma_wait3A_123 = arith.constant 0 : i32
        %dma_wait3A_124 = tpu.memref_slice %arg14[%dma_wait3A, %dma_wait3A_123] : memref<32x1024xf32, #tpu.memory_space<vmem>> -> memref<16x1024xf32, #tpu.memory_space<vmem>>
        %dma_wait3A_125 = arith.constant 0 : i32
        %dma_wait3A_126 = arith.constant 0 : i32
        %dma_wait3A_127 = tpu.memref_slice %arg7[%dma_wait3A_125, %dma_wait3A_126] : memref<16384x1024xf32, #tpu.memory_space<hbm>> -> memref<16384x1024xf32, #tpu.memory_space<hbm>>
        tpu.wait_indirect_dma semaphore(%arg17 : memref<!tpu.dma_semaphore, #tpu.memory_space<semaphore_mem>>) src(%dma_wait3A_124 : memref<16x1024xf32, #tpu.memory_space<vmem>>) dst(%dma_wait3A_127 : memref<16384x1024xf32, #tpu.memory_space<hbm>>)
      } else {
      }
    }
    return
  }
}

module attributes {stable_mosaic.version = 14 : i64} {
  func.func @_select_body(%arg0: i32, %arg1: memref<512x1024xf32, #tpu.memory_space<vmem>>, %arg2: memref<512x1xi32, #tpu.memory_space<vmem>>, %arg3: memref<512x1xi32, #tpu.memory_space<vmem>>, %arg4: memref<512x1024xf32, #tpu.memory_space<vmem>>) attributes {dimension_semantics = [#tpu.dimension_semantics<arbitrary>], iteration_bounds = array<i64: 32>, scalar_prefetch = 0 : i64, scratch_operands = 0 : i64, tpu.core_type = #tpu.core_type<tc>, window_params = [{transform_indices = @transform_0, window_bounds = array<i64: 512, 1024>}, {transform_indices = @transform_1, window_bounds = array<i64: 512, 1>}, {transform_indices = @transform_2, window_bounds = array<i64: 512, 1>}, {transform_indices = @transform_3, window_bounds = array<i64: 512, 1024>}]} {
    %get3A = arith.constant 0 : index
    %get3A_0 = arith.constant 0 : index
    %get3A_1 = vector.load %arg2[%get3A, %get3A_0] : memref<512x1xi32, #tpu.memory_space<vmem>>, vector<512x1xi32>
    %get3A_2 = arith.constant 0 : index
    %get3A_3 = arith.constant 0 : index
    %get3A_4 = vector.load %arg3[%get3A_2, %get3A_3] : memref<512x1xi32, #tpu.memory_space<vmem>>, vector<512x1xi32>
    %get3A_5 = arith.constant 0 : index
    %get3A_6 = arith.constant 0 : index
    %get3A_7 = vector.load %arg1[%get3A_5, %get3A_6] : memref<512x1024xf32, #tpu.memory_space<vmem>>, vector<512x1024xf32>
    %iota3A = tpu.iota {dimensions = array<i32: 1>} : vector<512x1024xi32>
    %eq3A = vector.broadcast %get3A_1 : vector<512x1xi32> to vector<512x1024xi32>
    %eq3A_8 = arith.cmpi eq, %iota3A, %eq3A : vector<512x1024xi32>
    %convert_element_type3A = arith.extui %eq3A_8 : vector<512x1024xi1> to vector<512x1024xi32>
    %convert_element_type3A_9 = arith.sitofp %convert_element_type3A : vector<512x1024xi32> to vector<512x1024xf32>
    %gt3A = arith.constant 0 : i32
    %gt3A_10 = vector.broadcast %gt3A : i32 to vector<512x1xi32>
    %gt3A_11 = arith.cmpi sgt, %get3A_4, %gt3A_10 : vector<512x1xi32>
    %broadcast_in_dim3A = vector.shape_cast %gt3A_11 : vector<512x1xi1> to vector<512x1xi1>
    %broadcast_in_dim3A_12 = vector.broadcast %broadcast_in_dim3A : vector<512x1xi1> to vector<512x1024xi1>
    %select_n3A = arith.select %broadcast_in_dim3A_12, %convert_element_type3A_9, %get3A_7 : vector<512x1024xi1>, vector<512x1024xf32>
    %swap3A = arith.constant 0 : index
    %swap3A_13 = arith.constant 0 : index
    %swap3A_14 = vector.load %arg4[%swap3A, %swap3A_13] : memref<512x1024xf32, #tpu.memory_space<vmem>>, vector<512x1024xf32>
    tpu.vector_store %arg4[%swap3A, %swap3A_13], %select_n3A {strides = array<i32>} : memref<512x1024xf32, #tpu.memory_space<vmem>>, vector<512x1024xf32>,
    return
  }
  func.func @transform_0(%arg0: i32) -> (i32, i32) {
    %c0_i32 = arith.constant 0 : i32
    %c0_i32_0 = arith.constant 0 : i32
    return %arg0, %c0_i32 : i32, i32
  }
  func.func @transform_1(%arg0: i32) -> (i32, i32) {
    %c0_i32 = arith.constant 0 : i32
    %c0_i32_0 = arith.constant 0 : i32
    return %arg0, %c0_i32 : i32, i32
  }
  func.func @transform_2(%arg0: i32) -> (i32, i32) {
    %c0_i32 = arith.constant 0 : i32
    %c0_i32_0 = arith.constant 0 : i32
    return %arg0, %c0_i32 : i32, i32
  }
  func.func @transform_3(%arg0: i32) -> (i32, i32) {
    %c0_i32 = arith.constant 0 : i32
    %c0_i32_0 = arith.constant 0 : i32
    return %arg0, %c0_i32 : i32, i32
  }
}

</mosaic_0001>

<sc_bundles>
// kernel: kernel.4.cloned.1.call-start
scs
__scs_entry_jumppad:
0x0: {  	(pc) =	sbr.rel $0x88, $3  }
0x1: {  	(tag) =	ssettag $0x0;
	lr =	simm.s32 $0x1  }
0x2: {  	[smem:$0x3F9D] =	sst lr;
	_ =	strace $0xD0000000  }
0x3: {  	_ = 	snop  }
0x4: {  	_ = 	snop  }
0x5: {  	_ = 	snop  }
0x6: {  	_ = 	snop  }
0x7: {  	_ = 	snop  }
__scs_overlays_trampoline_lowered:
0x8: {  	[smem:$0x3FAC] =	sst s0  }
0x9: {  	[smem:$0x3FAD] =	sst s1  }
0xa: {  	[smem:$0x3FAE] =	sst s2  }
0xb: {  	[smem:$0x3FAF] =	sst s3  }
0xc: {  	[smem:$0x3FB0] =	sst s4  }
0xd: {  	[smem:$0x3FB1] =	sst s5  }
0xe: {  	[smem:$0x3FB2] =	sst s6  }
0xf: {  	[smem:$0x3FB3] =	sst s7  }
0x10: {  	[smem:$0x3FB4] =	sst s8  }
0x11: {  	[smem:$0x3FB5] =	sst s9;
	s0 =	simm.s32 @!p0 $0x0  }
0x12: {  	s1 =	sld [smem:$0x3F9B];
	s0 =	simm.s32 @p0 $0x1  }
0x13: {  	[smem:$0x3FB6] =	sst s0;
	s0 =	simm.s32 @!p1 $0x0  }
0x14: {  	s2 =	sld [smem:$0x3F9A];
	s0 =	simm.s32 @p1 $0x1  }
0x15: {  	[smem:$0x3FB7] =	sst s0;
	s0 =	simm.s32 @!p2 $0x0  }
0x16: {  	s3 =	sld [smem:$0x3FDB];
	s0 =	simm.s32 @p2 $0x1  }
0x17: {  	s4 =	simm.s32 $0x1BF5;
	[smem:$0x3FB9] =	sst s0  }
0x18: {  	s0 =	sld [smem:$0x3F9C];
	_ =	swait.ge [sflag:s4], $0x0  }
0x19: {  	s7 =	sld [smem:$0x3F9D]  }
0x1a: {  	s8 =	sadd.s32 $0xFFFFE003, lr  }
0x1b: {  	s9 =	sadd.s32 $0xFFFFFEF7, lr;
	s5 =	simm.s32 $0xFFFFFFFF;
	p2 =	slt.u32 s8, $0xFFFFF086  }
0x1c: {  	p1 =	slt.u32 s9, $0xF7A;
	s5 =	simm.s32 @!p2 $0x0  }
0x1d: {  	s5 =	simm.s32 @p1 $0x1;
	p0 =	seq.s32 s7, s2  }
0x1e: {  	s7 =	smul.u32 @!p0 $0xF7A, s2;
	p2 =	seq.s32 @!p0 s5, $0x0  }
0x1f: {  	s9 =	smul.u32 $0xF7A, s1;
	s8 =	simm.s32 @!p0 $0x1BF5;
	p2 =	por !p2, p0  }
0x20: {  	[sflag:s8] =	ssyncset.s32 @!p0 $0xFFFFF086;
	s6 =	sadd.s32 @!p0 s3, s7;
	s7 =	simm.s32 @!p0 $0x108  }
0x21: {  	s3 =	sadd.s32 s3, s9;
	s6 =	sadd.s32 @!p0 $0x88, s6;
	s7 =	simm.s32 @p2 $0x1082  }
0x22: {  	[simem:s7], [sflag:s8] =	dma.local @!p0 [hbm:s6], $0xF7A  }
0x23: {  	s9 =	sor.u32 $0xD0000000, s2;
	s6 =	simm.s32 $0x108;
	_ =	swait.ge @!p0 [sflag:s8], $0x0  }
0x24: {  	s3 =	sadd.s32 $0x88, s3;
	s6 =	simm.s32 @!p1 $0x1082;
	[sflag:s4] =	ssyncset.s32 $0xFFFFF086  }
0x25: {  	[simem:s6], [sflag:s4] =	dma.local [hbm:s3], $0xF7A  }
0x26: {  	[smem:$0x3F9D] =	sst s1;
	(tag) =	ssettag s2;
	_ =	strace s9  }
0x27: {  	s1 =	sld [smem:$0x3FAD]  }
0x28: {  	s2 =	sld [smem:$0x3FAE]  }
0x29: {  	s4 =	sld [smem:$0x3FB0]  }
0x2a: {  	p0 =	seq.s32 s5, $0x0;
	s5 =	sld [smem:$0x3FB1]  }
0x2b: {  	s6 =	sld [smem:$0x3FB2]  }
0x2c: {  	s7 =	sld [smem:$0x3FB3]  }
0x2d: {  	s3 =	simm.s32 $0x108;
	s8 =	sld [smem:$0x3FB4]  }
0x2e: {  	s3 =	simm.s32 @!p0 $0x1082;
	s9 =	sld [smem:$0x3FB5]  }
0x2f: {  	lr =	sadd.s32 s0, s3;
	s0 =	sld [smem:$0x3FAC]  }
0x30: {  	s3 =	sld [smem:$0x3FAF]  }
0x31: {  	[smem:$0x3FB8] =	sst s10  }
0x32: {  	s10 =	sld [smem:$0x3FB6];
	_ =	sdelay $0x3  }
0x33: {  	p0 =	seq.s32 s10, $0x1;
	s10 =	sld [smem:$0x3FB8];
	_ =	sdelay $0x3  }
0x34: {  	[smem:$0x3FB8] =	sst s10  }
0x35: {  	s10 =	sld [smem:$0x3FB7];
	_ =	sdelay $0x3  }
0x36: {  	p1 =	seq.s32 s10, $0x1;
	s10 =	sld [smem:$0x3FB8];
	_ =	sdelay $0x3  }
0x37: {  	[smem:$0x3FB8] =	sst s10  }
0x38: {  	s10 =	sld [smem:$0x3FB9]  }
0x39: {  	_ = 	snop;
	(pc) =	sbr.ind lr, $3  }
0x3a: {  	_ = 	snop  }
0x3b: {  	_ = 	snop  }
0x3c: {  	p2 =	seq.s32 s10, $0x1;
	s10 =	sld [smem:$0x3FB8]  }
0x3d: {  	_ =	shalt  }
0x3e: {  	_ =	shalt  }
0x3f: {  	_ =	shalt  }
0x40: {  	_ =	shalt  }
0x41: {  	_ =	shalt  }
0x42: {  	_ =	shalt  }
0x43: {  	_ =	shalt  }
0x44: {  	_ =	shalt  }
0x45: {  	_ =	shalt  }
0x46: {  	_ =	shalt  }
0x47: {  	_ =	shalt  }
0x48: {  	_ =	shalt  }
0x49: {  	_ =	shalt  }
0x4a: {  	_ =	shalt  }
0x4b: {  	_ =	shalt  }
0x4c: {  	_ =	shalt  }
0x4d: {  	_ =	shalt  }
0x4e: {  	_ =	shalt  }
0x4f: {  	_ =	shalt  }
0x50: {  	_ =	shalt  }
0x51: {  	_ =	shalt  }
0x52: {  	_ =	shalt  }
0x53: {  	_ =	shalt  }
0x54: {  	_ =	shalt  }
0x55: {  	_ =	shalt  }
0x56: {  	_ =	shalt  }
0x57: {  	_ =	shalt  }
0x58: {  	_ =	shalt  }
0x59: {  	_ =	shalt  }
0x5a: {  	_ =	shalt  }
0x5b: {  	_ =	shalt  }
0x5c: {  	_ =	shalt  }
0x5d: {  	_ =	shalt  }
0x5e: {  	_ =	shalt  }
0x5f: {  	_ =	shalt  }
0x60: {  	_ =	shalt  }
0x61: {  	_ =	shalt  }
0x62: {  	_ =	shalt  }
0x63: {  	_ =	shalt  }
0x64: {  	_ =	shalt  }
0x65: {  	_ =	shalt  }
0x66: {  	_ =	shalt  }
0x67: {  	_ =	shalt  }
0x68: {  	_ =	shalt  }
0x69: {  	_ =	shalt  }
0x6a: {  	_ =	shalt  }
0x6b: {  	_ =	shalt  }
0x6c: {  	_ =	shalt  }
0x6d: {  	_ =	shalt  }
0x6e: {  	_ =	shalt  }
0x6f: {  	_ =	shalt  }
0x70: {  	_ =	shalt  }
0x71: {  	_ =	shalt  }
0x72: {  	_ =	shalt  }
0x73: {  	_ =	shalt  }
0x74: {  	_ =	shalt  }
0x75: {  	_ =	shalt  }
0x76: {  	_ =	shalt  }
0x77: {  	_ =	shalt  }
0x78: {  	_ =	shalt  }
0x79: {  	_ =	shalt  }
0x7a: {  	_ =	shalt  }
0x7b: {  	_ =	shalt  }
0x7c: {  	_ =	shalt  }
0x7d: {  	_ =	shalt  }
0x7e: {  	_ =	shalt  }
0x7f: {  	_ =	shalt  }
0x80: {  	_ =	shalt  }
0x81: {  	_ =	shalt  }
0x82: {  	_ =	shalt  }
0x83: {  	_ =	shalt  }
0x84: {  	_ =	shalt  }
0x85: {  	_ =	shalt  }
0x86: {  	_ =	shalt  }
0x87: {  	_ =	shalt  }
.Lfunc_end0:
.L_simem_size_0:
called_computation_lowered:
.L_overlay_start_0:
0x88: {  	s2 =	sld [smem:$0x3FD9]  }
0x89: {  	s3 =	sld [smem:$0x3FFE];
	_ =	sdelay $0x1  }
0x8a: {  	s1 =	srdreg.scid  }
0x8b: {  	s0 =	sand.u32 $0x1, s1  }
0x8c: {  	s17 =	sshll.u32 s0, $0xA;
	s2 =	sadd.s32 s3, s2  }
0x8d: {  	s2 =	sadd.s32 s2, s17  }
0x8e: {  	[smem:$0x3FC4] =	sst s2  }
0x8f: {  	_ = 	snop  }
0x90: {  	s2 =	sld [smem:$0x3FC9];
	(tm) =	ssettm $0x1  }
0x91: {  	s18 =	sld [smem:$0x3FFB];
	_ =	sdelay $0x3  }
0x92: {  	_ =	strace s18  }
0x93: {  	s3 =	sld [smem:$0x3FFC];
	_ =	sdelay $0x3  }
0x94: {  	_ =	strace s3  }
0x95: {  	s3 =	sld [smem:$0x3FFD];
	_ =	sdelay $0x3  }
0x96: {  	_ =	strace s3  }
0x97: {  	_ =	strace $0x8FFFFFFF  }
0x98: {  	s19 =	sld [smem:$0x3FDB];
	_ =	sdelay $0x1  }
0x99: {  	s4 =	simm.s32 $_scs_section_size  }
0x9a: {  	s5 =	simm.s32 $_size__tile_overlayer_lowered;
	s6 =	simm.s32 $_tile_overlayer_lowered  }
0x9b: {  	s22 =	simm.s32 $0x1BFF;
	s21 =	sshll.u32 s6, $0x1;
	s3 =	sadd.s32 s4, s19  }
0x9c: {  	s7 =	simm.s32 $0x0;
	s20 =	sshll.u32 s5, $0x1;
	s5 =	sadd.s32 s21, s3  }
0x9d: {  	[timem:s7], [sflag:s22] =	dma.local [hbm:s5], s20  }
0x9e: {  	_ =	swait.ge [sflag:s22], s20  }
0x9f: {  	s4 =	ssub.s32 $0x0, s20;
	[sflag:s22] =	ssyncset.done $0x0  }
0xa0: {  	[sflag:s22] =	ssyncadd.s32 s4;
	_ =	sdelay $0x1  }
0xa1: {  	s23 =	simm.s32 $0x1B8B  }
0xa2: {  	_ =	swait.ge [sflag:s23], $0x1  }
0xa3: {  	[sflag:s23] =	ssyncset.done $0x0  }
0xa4: {  	s25 =	simm.s32 $0x1B8E;
	s24 =	sld [smem:$0x3FFE];
	[sflag:s23] =	ssyncadd.s32 $0xFFFFFFFF  }
0xa5: {  	s26 =	simm.s32 $execute0_lowered;
	[smem:$0x3FD2] =	sst s25  }
0xa6: {  	s5 =	sshll.u32 s26, $0x1;
	_ =	strace $0x80000046;
	[dreg:$0x1] =	wrdreg $0xFFFFFFFF  }
0xa7: {  	s28 =	simm.s32 $_size_execute0_lowered;
	s3 =	sadd.s32 s3, s5;
	[dreg:$0x0] =	wrdreg $0x0  }
0xa8: {  	s5 =	sshll.u32 s28, $0x1;
	[dreg:$0x2] =	wrdreg s3  }
0xa9: {  	[dreg:$0x3] =	wrdreg s5  }
0xaa: {  	[dreg:$0x4] =	wrdreg $0xC0  }
0xab: {  	_ =	task [dreg:s7], $0x5FFFF  }
0xac: {  	[dreg:$0x1] =	wrdreg $0xFFFFFFFF  }
0xad: {  	[dreg:$0x0] =	wrdreg $0x60  }
0xae: {  	[dreg:$0x2] =	wrdreg s2  }
0xaf: {  	[dreg:$0x3] =	wrdreg s24  }
0xb0: {  	[dreg:$0x4] =	wrdreg $0x9  }
0xb1: {  	_ =	task.clear_ibuf [dreg:s7], $0x5FFFF;
	_ =	strace $0x90000046  }
0xb2: {  	s29 =	simm.s32 $0x9;
	_ =	strace $0x80000048  }
0xb3: {  	_ =	swait.ge [sflag:s29], $0x1  }
0xb4: {  	[sflag:s29] =	ssyncadd.s32 $0xFFFFFFFF  }
0xb5: {  	_ =	strace $0x90000048  }
0xb6: {  	_ =	sfence  }
0xb7: {  	s30 =	sld [smem:$0x0];
	_ =	sdelay $0x2  }
0xb8: {  	s31 =	sshll.u32 s1, $0xD;
	s1 =	sshrl.u32 s1, $0x2  }
0xb9: {  	s3 =	sand.u32 $0x4000, s31;
	s1 =	sadd.s32 s1, s30  }
0xba: {  	s0 =	sor.u32 s3, s0;
	s1 =	sshll.u32 s1, $0x11  }
0xbb: {  	s0 =	sor.u32 s1, s0  }
0xbc: {  	s0 =	sadd.s32 $0x8F2B, s0  }
0xbd: {  	[sflag:s0] =	ssyncadd.remote.s32 $0x1  }
0xbe: {  	_ =	sfence.sel $0xFFFF  }
0xbf: {  	[dreg:$0x0] =	wrdreg $0xFFFFFFFF;
	(pc) =	sbr.abs _section_cstart, $3  }
0xc0: {  	[dreg:$0x1] =	wrdreg $0xFFFFFFFF  }
0xc1: {  	_ =	task.clear_ibuf [dreg:s7], $0x2FFFF;
	_ =	strace $0x9FFFFFFF  }
0xc2: {  	(tm) =	ssettm $0x7FFFFFFF  }
0xc3: {  	_ =	shalt  }
tec
execute0_lowered:
.L_overlay_start_1:
0x0: {  	(tag) =	ssettag $0x1  }
0x1: {  	v0 =	vimm.s32 $0x0  }
0x2: {  	v1 =	vlaneseq.u32;
	v2 =	vimm.s32 $0x2380;
	vm1 =	vcmask $0x300  }
0x3: {  	vm0 =	vmmov $0xffff;
	vm2 =	vcmask $0x704;
	vm3 =	vcmask $0xB08  }
0x4: {  	s0 =	srdreg.scid;
	s1 =	rddreg [dreg:$0x0];
	v3 =	vimm.s32 $0x6380;
	vm4 =	vcmask $0xF0C;
	vm14 =	vcmask $0x1F1C  }
0x5: {  	s2 =	stileid.u32;
	s5 =	rddreg [dreg:$0x1];
	s17 =	simm.s32 $0x4;
	vm15 =	vcmask $0x2F2C;
	v2 =	vsel vm1, $0x0, v2;
	v3 =	vsel vm1, $0x4000, v3  }
0x6: {  	s19 =	simm.s32 $0xB480;
	s20 =	simm.s32 $0xF480;
	s21 =	simm.s32 $0x480;
	vm1 =	vcmask $0x1310;
	v2 =	vsel vm2, $0x80, v2;
	v3 =	vsel vm2, $0x4080, v3  }
0x7: {  	s22 =	simm.s32 $0x1480;
	s23 =	simm.s32 $0x2480;
	s18 =	simm.s32 $0x10C80;
	v6 =	vshrl.u32 v1, $0x3;
	v2 =	vsel vm3, $0x100, v2;
	v3 =	vsel vm3, $0x4100, v3  }
0x8: {  	s8 =	simm.s32 $0x11C80;
	s9 =	simm.s32 $0x12480;
	s16 =	simm.s32 $0x12C80;
	vm2 =	vcmask $0x1714;
	v2 =	vsel vm4, $0x180, v2;
	v3 =	vsel vm4, $0x4180, v3  }
0x9: {  	s0 =	sand.u32 $0x1, s0;
	s2 =	sshll.u32 s2, $0xA;
	s6 =	sadd.s32 $0x2A00, s5;
	vm3 =	vcmask $0x1B18;
	v2 =	vsel vm1, $0x200, v2;
	v3 =	vsel vm1, $0x4200, v3  }
0xa: {  	s29 =	sadd.s32 $0x2C00, s5;
	s7 =	sadd.s32 $0x3400, s5;
	s10 =	sadd.s32 $0x100, s1;
	vm1 =	vcmask $0x2320;
	v2 =	vsel vm2, $0x280, v2;
	v3 =	vsel vm2, $0x4280, v3  }
0xb: {  	s11 =	sadd.s32 $0x200, s1;
	s12 =	sadd.s32 $0x300, s1;
	s3 =	sshll.u32 s0, $0x9;
	vm2 =	vcmask $0x2724;
	v2 =	vsel vm3, $0x300, v2;
	v3 =	vsel vm3, $0x4300, v3  }
0xc: {  	s13 =	sadd.s32 $0x3500, s5;
	s0 =	ssub.s32 $0x2, s0;
	s2 =	sor.u32 s3, s2;
	vm3 =	vcmask $0x2B28;
	v2 =	vsel vm14, $0x380, v2;
	v3 =	vsel vm14, $0x4380, v3  }
0xd: {  	s3 =	simm.s32 $0x0;
	s30 =	sshrl.u32 s0, $0x1;
	s4 =	sor.u32 $0x4000, s2;
	v2 =	vsel vm1, $0x2000, v2;
	v3 =	vsel vm1, $0x6000, v3;
	vm1 =	vcmask $0x3330  }
0xe: {  	[smem:$0x7FF] =	sst s3;
	s0 =	ssub.s32 s0, s30;
	s2 =	sshrl.u32 s4, $0x3;
	v2 =	vsel vm2, $0x2080, v2;
	v3 =	vsel vm2, $0x6080, v3;
	vm2 =	vcmask $0x3734  }
.Ltmp0:
0xf: {  	_ =	strace $0x80000047;
	[dreg:$0x3] =	wrdreg s6;
	v2 =	vsel vm3, $0x2100, v2;
	v3 =	vsel vm3, $0x6100, v3;
	vm3 =	vcmask $0x3B38;
	(pc) =	sbr.rel .LBB2_1-.Ltmp0, $4  }
0x10: {  	[dreg:$0x4] =	wrdreg s29;
	s0 =	smax.u32 s0, $0x1;
	s2 =	sadd.s32 s2, s5;
	v2 =	vsel vm15, $0x2180, v2;
	v4 =	vsel vm15, $0x6180, v3;
	v3 =	vimm.f32 $1.000000000e+00  }
0x11: {  	s14 =	sadd.s32 $0x3600, s5;
	[dreg:$0x7] =	wrdreg s0;
	s31 =	sadd.s32 $0xA00, s2;
	v2 =	vsel vm1, $0x2200, v2;
	v5 =	vsel vm1, $0x6200, v4;
	v4 =	vand.u32 $0x7, v1  }
0x12: {  	s15 =	sadd.s32 $0x3700, s5;
	s2 =	sadd.s32 $0x1A00, s2;
	[dreg:$0x5] =	wrdreg s31;
	v2 =	vsel vm2, $0x2280, v2;
	v7 =	vsel vm2, $0x6280, v5;
	v5 =	vmul.u32 $0x8, v6  }
0x13: {  	s6 =	simm.s32 $0x0;
	s5 =	simm.s32 $0x11480;
	[dreg:$0x6] =	wrdreg s2;
	v6 =	vor.u32 $0x8, v1;
	v2 =	vsel vm3, $0x2300, v2;
	v7 =	vsel vm3, $0x6300, v7  }
.LBB2_5:
0x14: {  	s6 =	sadd.s32 $0x1, s6;
	s0 =	rddreg [dreg:$0x7]  }
0x15: {  	p0 =	sne.s32 s6, s0  }
.Ltmp1:
0x16: {  	_ = 	snop;
	(pc) =	sbr.rel @!p0 .LBB2_6-.Ltmp1, $1  }
0x17: {  	_ =	sdelay $0x3  }
.LBB2_1:
0x18: {  	s0 =	rddreg [dreg:$0x5]  }
0x19: {  	[tilespmem:s3], [sflag:$0x4] =	stream.linear.gather [hbm4b:s0+s3], $0x200, $0x38;
	[tilespmem:$0x13480] =	vst v63  }
0x1a: {  	_ =	swait.ge [sflag:s17], $0x200  }
0x1b: {  	[sflag:s17] =	ssyncset.done $0x0  }
0x1c: {  	s24 =	simm.s32 $0x200;
	s25 =	rddreg [dreg:$0x6];
	[sflag:s17] =	ssyncadd.s32 $0xFFFFFE00  }
0x1d: {  	[tilespmem:s24], [sflag:$0x4] =	stream.linear.gather [hbm4b:s25+s3], $0x200, $0x38;
	[tilespmem:$0x13480] =	vst v63  }
0x1e: {  	_ =	swait.ge [sflag:s17], $0x200  }
0x1f: {  	[sflag:s17] =	ssyncset.done $0x0  }
0x20: {  	s2 =	simm.s32 $0x400;
	s26 =	rddreg [dreg:$0x3];
	[sflag:s17] =	ssyncadd.s32 $0xFFFFFE00  }
0x21: {  	[tilespmem:s2], [sflag:$0x4] =	stream.linear.gather [hbm4b:s26+s3], $0x80, $0x38;
	[tilespmem:$0x13480] =	vst v63  }
0x22: {  	_ =	swait.ge [sflag:s17], $0x80  }
0x23: {  	[sflag:s17] =	ssyncset.done $0x0  }
0x24: {  	s2 =	rddreg [dreg:$0x4];
	[sflag:s17] =	ssyncadd.s32 $0xFFFFFF80  }
0x25: {  	[tilespmem:s19], [sflag:$0x4] =	stream.linear.gather [hbm4b:s2+s3], $0x4000, $0x38;
	[tilespmem:$0x13480] =	vst v63  }
0x26: {  	_ =	swait.ge [sflag:s17], $0x4000  }
0x27: {  	[sflag:s17] =	ssyncset.done $0x0  }
0x28: {  	[sflag:s17] =	ssyncadd.s32 $0xFFFFC000  }
0x29: {  	[tilespmem:s20], [sflag:$0x4] =	stream.linear.gather [hbm4b:s2+s3], $0x4000, $0x38;
	[tilespmem:$0x13480] =	vst v63  }
0x2a: {  	_ =	swait.ge [sflag:s17], $0x4000  }
0x2b: {  	[sflag:s17] =	ssyncset.done $0x0  }
0x2c: {  	[sflag:s17] =	ssyncadd.s32 $0xFFFFC000  }
0x2d: {  	v9 =	vld [tilespmem:$0x400]  }
0x2e: {  	v8 =	vld [tilespmem:s3+$0x0]  }
0x2f: {  	v10 =	vld [tilespmem:s24+$0x0];
	_ =	sdelay $0x4  }
0x30: {  	vm1 =	vlt.f32 v10, v9;
	vm2 =	vgt.s32 v8, $0xFFFFFFFF  }
0x31: {  	vm1 =	vmand vm2, vm1  }
0x32: {  	v10 =	vsel vm1, $0x1, v0;
	vm2 =	vmneg vm1  }
0x33: {  	(xrf0) =	vadd.scan.msk.s32 $0xffff, v10;
	v10 =	vsel vm2, $0x1, v0  }
0x34: {  	(xrf0) =	vadd.scan.msk.s32 $0xffff, v10;
	_ =	sdelay $0x3  }
0x35: {  	v11 =	vmov s3  }
0x36: {  	v11 =	vadd.s32 $0xFFFFFFFF, v11;
	v10, _, _ =	vpop (xrf0)  }
0x37: {  	v11 =	vbroadcast v11, $0x0;
	(v2sf) =	vpush v10, $0xF;
	v12, _, _ =	vpop (xrf0)  }
0x38: {  	(v2sf) =	vpush v12, $0xF  }
0x39: {  	v12 =	vadd.s32 v12, v11  }
0x3a: {  	v10 =	vadd.s32 v10, v11;
	v11 =	vshll.u32 v12, $0x3  }
0x3b: {  	v13 =	vshll.u32 v10, $0x3;
	v12 =	vand.u32 $0xF, v12;
	v11 =	vand.u32 $0xFFFFFF80, v11  }
0x3c: {  	v10 =	vand.u32 $0xF, v10;
	v13 =	vand.u32 $0xFFFFFF80, v13;
	v11 =	vor.u32 v12, v11  }
0x3d: {  	v10 =	vor.u32 v10, v13;
	_ =	sdelay $0x1  }
0x3e: {  	s25 =	sadd.s32 $0x0, s4  }
0x3f: {  	v63 =	vor.u32 s25, v1  }
0x40: {  	[tilespmem:v11+s21+$0x0] =	vst.idx.msk vm2, v63  }
0x41: {  	[tilespmem:v10+s22+$0x0] =	vst.idx.msk vm1, v63  }
0x42: {  	s25 =	simm.s32 $0x10;
	[tilespmem:v10+s23+$0x0] =	vst.idx.msk vm1, v8  }
0x43: {  	s29 =	simm.s32 $0x210;
	v8 =	vld [tilespmem:s25+$0x0]  }
0x44: {  	v10 =	vld [tilespmem:s29+$0x0]  }
0x45: {  	s28 =	simm.s32 $0x20;
	s30 =	simm.s32 $0x10;
	s26 =	spop (v2sf)  }
0x46: {  	s24 =	sadd.s32 $0x0, s26;
	s31 =	spop (v2sf);
	s26 =	simm.s32 $0x0  }
.LBB2_2:
0x47: {  	p0 =	sne.s32 s28, $0x1F0  }
0x48: {  	s26 =	sadd.s32 s26, s31;
	s31 =	smov.u32 s28;
	s28 =	sadd.s32 $0x10, s28  }
0x49: {  	vm2 =	vgt.s32 v8, $0xFFFFFFFF;
	vm1 =	vlt.f32 v10, v9;
	v10 =	vmov s26  }
0x4a: {  	vm1 =	vmand vm2, vm1;
	v10 =	vadd.s32 $0xFFFFFFFF, v10  }
0x4b: {  	v11 =	vsel vm1, $0x1, v0;
	vm2 =	vmneg vm1  }
0x4c: {  	v12 =	vsel vm2, $0x1, v0;
	(xrf0) =	vadd.scan.msk.s32 $0xffff, v11  }
0x4d: {  	(xrf0) =	vadd.scan.msk.s32 $0xffff, v12;
	_ =	sdelay $0x1  }
0x4e: {  	v11 =	vmov s24  }
0x4f: {  	v11 =	vadd.s32 $0xFFFFFFFF, v11  }
0x50: {  	v11 =	vbroadcast v11, $0x0  }
0x51: {  	v10 =	vbroadcast v10, $0x0;
	v12, _, _ =	vpop (xrf0)  }
0x52: {  	v11 =	vadd.s32 v12, v11;
	v13, _, _ =	vpop (xrf0);
	(v2sf) =	vpush v12, $0xF  }
0x53: {  	v10 =	vadd.s32 v13, v10;
	v12 =	vshll.u32 v11, $0x3;
	(v2sf) =	vpush v13, $0xF  }
0x54: {  	v13 =	vshll.u32 v10, $0x3;
	v12 =	vand.u32 $0xFFFFFF80, v12  }
0x55: {  	v10 =	vand.u32 $0xF, v10;
	v13 =	vand.u32 $0xFFFFFF80, v13  }
0x56: {  	v11 =	vand.u32 $0xF, v11;
	v10 =	vor.u32 v10, v13  }
0x57: {  	v11 =	vor.u32 v11, v12;
	_ =	sdelay $0x1  }
0x58: {  	s2 =	sadd.s32 s4, s25;
	s25 =	smov.u32 s31  }
0x59: {  	v12 =	vor.u32 s2, v1  }
0x5a: {  	[tilespmem:v10+s21+$0x0] =	vst.idx.msk vm2, v12  }
0x5b: {  	[tilespmem:v11+s22+$0x0] =	vst.idx.msk vm1, v12  }
0x5c: {  	s30 =	sadd.s32 $0x10, s30;
	[tilespmem:v11+s23+$0x0] =	vst.idx.msk vm1, v8  }
.Ltmp2:
0x5d: {  	s29 =	sadd.s32 $0x10, s29;
	v8 =	vld [tilespmem:s30+$0x0];
	(pc) =	sbr.rel @p0 .LBB2_2-.Ltmp2, $3  }
0x5e: {  	v10 =	vld [tilespmem:s29+$0x0];
	_ =	sdelay $0x1  }
0x5f: {  	s2 =	spop (v2sf)  }
0x60: {  	s24 =	sadd.s32 s24, s2;
	s31 =	spop (v2sf)  }
0x61: {  	_ = 	snop  }
0x62: {  	vm2 =	vgt.s32 v8, $0xFFFFFFFF;
	vm1 =	vlt.f32 v10, v9  }
0x63: {  	vm1 =	vmand vm2, vm1  }
0x64: {  	v61 =	vsel vm1, $0x1, v0;
	vm2 =	vmneg vm1  }
0x65: {  	v62 =	vsel vm2, $0x1, v0;
	(xrf0) =	vadd.scan.msk.s32 $0xffff, v61  }
0x66: {  	(xrf0) =	vadd.scan.msk.s32 $0xffff, v62;
	_ =	sdelay $0x4  }
0x67: {  	v9, _, _ =	vpop (xrf0)  }
0x68: {  	v10, _, _ =	vpop (xrf0);
	(v2sf) =	vpush v9, $0xF  }
0x69: {  	(v2sf) =	vpush v10, $0xF;
	_ =	sdelay $0x6  }
0x6a: {  	s2 =	sadd.s32 s26, s31  }
0x6b: {  	v11 =	vmov s2  }
0x6c: {  	v12 =	vmov s24;
	v11 =	vadd.s32 $0xFFFFFFFF, v11  }
0x6d: {  	v12 =	vadd.s32 $0xFFFFFFFF, v12;
	v11 =	vbroadcast v11, $0x0  }
0x6e: {  	v12 =	vbroadcast v12, $0x0  }
0x6f: {  	v10 =	vadd.s32 v10, v11  }
0x70: {  	v9 =	vadd.s32 v9, v12;
	v11 =	vshll.u32 v10, $0x3  }
0x71: {  	v12 =	vshll.u32 v9, $0x3;
	v10 =	vand.u32 $0xF, v10;
	v11 =	vand.u32 $0xFFFFFF80, v11;
	s29 =	spop (v2sf)  }
0x72: {  	v9 =	vand.u32 $0xF, v9;
	v12 =	vand.u32 $0xFFFFFF80, v12;
	v10 =	vor.u32 v10, v11;
	s28 =	spop (v2sf)  }
0x73: {  	v9 =	vor.u32 v9, v12;
	s2 =	sadd.s32 s2, s28  }
0x74: {  	s28 =	sand.u32 $0xF, s2;
	p0 =	slt.s32 s2, $0x1  }
0x75: {  	s25 =	sadd.s32 s4, s25;
	p1 =	seq.s32 @!p0 s28, $0x0  }
0x76: {  	v63 =	vor.u32 s25, v1;
	p1 =	por p1, p0  }
0x77: {  	[tilespmem:v10+s21+$0x0] =	vst.idx.msk vm2, v63;
	v10 =	vlaneseq.u32 @!p1  }
0x78: {  	[tilespmem:v9+s22+$0x0] =	vst.idx.msk vm1, v63;
	v11 =	vmov @!p1 s28;
	s25 =	sshll.u32 @!p1 s2, $0x3;
	v12 =	vadd.s32 @!p1 $0x1, v10  }
0x79: {  	[tilespmem:v9+s23+$0x0] =	vst.idx.msk vm1, v8;
	s24 =	sadd.s32 s24, s29;
	s26 =	simm.s32 @!p1 $0x480;
	s25 =	sand.u32 @!p1 $0xFFFFFF80, s25;
	vm1 =	vlt.u32 @!p1 v11, v12  }
0x7a: {  	p0 =	slt.s32 s24, $0x1;
	v8 =	vld.msk @!p1 [tilespmem:s26+$0x0], $0xffff;
	v9 =	vor.u32 @!p1 s25, v10;
	s25 =	sand.u32 $0xF, s24  }
0x7b: {  	p2 =	seq.s32 @!p0 s25, $0x0  }
0x7c: {  	p0 =	por p2, p0  }
0x7d: {  	v10 =	vlaneseq.u32 @!p0  }
0x7e: {  	v11 =	vmov @!p0 s25;
	s25 =	sshll.u32 @!p0 s24, $0x3;
	v12 =	vadd.s32 @!p0 $0x1, v10  }
0x7f: {  	s25 =	sand.u32 @!p0 $0xFFFFFF80, s25;
	[tilespmem:v9+s26+$0x0] =	vst.idx.msk @!p1 vm1, v8;
	vm1 =	vlt.u32 @!p0 v11, v12;
	s26 =	simm.s32 @!p0 $0x1480  }
0x80: {  	v9 =	vor.u32 @!p0 s25, v10;
	v8 =	vld.msk @!p0 [tilespmem:s26+$0x0], $0xffff;
	_ =	sdelay $0x1  }
0x81: {  	s30 =	sadd.s32 $0xF, s24;
	s2 =	sadd.s32 $0xF, s2  }
0x82: {  	s24 =	sshra.s32 s2, $0x4;
	s25 =	sshra.s32 s30, $0x4  }
0x83: {  	s2 =	sadd.s32 $0x1, s24;
	s31 =	sadd.s32 $0x1, s25  }
0x84: {  	s2 =	sshra.s32 s2, $0x1;
	[tilespmem:v9+s26+$0x0] =	vst.idx.msk @!p0 vm1, v8;
	s26 =	sshra.s32 s31, $0x1  }
0x85: {  	p1 =	sgt.s32 s2, s26  }
0x86: {  	s28 =	simm.s32 @!p0 $0x2480;
	s26 =	smov.u32 @p1 s2  }
0x87: {  	v8 =	vld.msk @!p0 [tilespmem:s28+$0x0], $0xffff;
	p1 =	slt.s32 s26, $0x1  }
.Ltmp3:
0x88: {  	_ = 	snop;
	(pc) =	sbr.rel @p1 .LBB2_5-.Ltmp3, $2  }
0x89: {  	_ =	sdelay $0x2  }
0x8a: {  	[tilespmem:v9+s28+$0x0] =	vst.idx.msk @!p0 vm1, v8;
	s28 =	simm.s32 $0x0  }
.LBB2_4:
0x8b: {  	p0 =	sge.s32 s28, s24  }
0x8c: {  	s31 =	sshll.u32 @!p0 s28, $0x7;
	v8 =	vlaneseq.u32 @!p0  }
0x8d: {  	v9 =	vor.u32 @!p0 s31, v8;
	_ =	sdelay $0x3  }
0x8e: {  	s2 =	simm.s32 @!p0 $0x480  }
0x8f: {  	v9 =	vld.idx.msk @!p0 [tilespmem:v9+s2+$0x0], $0xffff;
	_ =	sdelay $0x4  }
0x90: {  	v10 =	vshll.u32 @!p0 v9, $0x3  }
0x91: {  	v9 =	vand.u32 @!p0 $0x7, v9;
	v10 =	vand.u32 @!p0 $0xFFFFFFC0, v10  }
0x92: {  	v11 =	vshrl.u32 @!p0 v8, $0x3;
	v9 =	vor.u32 @!p0 v9, v10;
	v10 =	vand.u32 @!p0 $0x7, v8  }
0x93: {  	v11 =	vmul.u32 @!p0 $0x8, v11;
	v10 =	vperm.xlane @!p0 v9, v10;
	_ =	sdelay $0x1  }
0x94: {  	v10 =	vadd.s32 @!p0 v11, v10;
	_ =	sdelay $0x3  }
0x95: {  	vm2 =	vmmov @!p0 $0xffff;
	s29 =	simm.s32 @!p0 $0x3480;
	s2 =	simm.s32 @!p0 $0x0  }
0x96: {  	v8 =	vor.u32 @!p0 $0x8, v8;
	[tilespmem:s29], [sflag:$0x1] =	stream.indirect_vreg.gather @!p0 [hbm4b:s1+s2], $0x80, v10, vm2, $0xb8;
	[tilespmem:$0x13480] =	vst v63  }
0x97: {  	v8 =	vperm.xlane @!p0 v9, v8;
	s29 =	simm.s32 @!p0 $0x3C80  }
0x98: {  	[tilespmem:s29], [sflag:$0x1] =	stream.indirect_vreg.gather @!p0 [hbm4b:s10+s2], $0x80, v10, vm2, $0xb8;
	[tilespmem:$0x13480] =	vst v63  }
0x99: {  	v8 =	vadd.s32 @!p0 v11, v8;
	s29 =	simm.s32 @!p0 $0x4480  }
0x9a: {  	[tilespmem:s29], [sflag:$0x1] =	stream.indirect_vreg.gather @!p0 [hbm4b:s11+s2], $0x80, v10, vm2, $0xb8;
	[tilespmem:$0x13480] =	vst v63  }
0x9b: {  	s29 =	simm.s32 @!p0 $0x4C80  }
0x9c: {  	[tilespmem:s29], [sflag:$0x1] =	stream.indirect_vreg.gather @!p0 [hbm4b:s12+s2], $0x80, v10, vm2, $0xb8;
	[tilespmem:$0x13480] =	vst v63  }
0x9d: {  	s29 =	simm.s32 @!p0 $0x5480  }
0x9e: {  	[tilespmem:s29], [sflag:$0x1] =	stream.indirect_vreg.gather @!p0 [hbm4b:s1+s2], $0x80, v8, vm2, $0xb8;
	[tilespmem:$0x13480] =	vst v63  }
0x9f: {  	s29 =	simm.s32 @!p0 $0x5C80  }
0xa0: {  	[tilespmem:s29], [sflag:$0x1] =	stream.indirect_vreg.gather @!p0 [hbm4b:s10+s2], $0x80, v8, vm2, $0xb8;
	[tilespmem:$0x13480] =	vst v63  }
0xa1: {  	s29 =	sadd.s32 $0x1, s28  }
0xa2: {  	p1 =	sge.s32 s29, s24  }
0xa3: {  	s30 =	sshll.u32 @!p1 s29, $0x7;
	v9 =	vlaneseq.u32 @!p1  }
0xa4: {  	s0 =	simm.s32 @!p0 $0x6480;
	v10 =	vor.u32 @!p1 s30, v9  }
0xa5: {  	[tilespmem:s0], [sflag:$0x1] =	stream.indirect_vreg.gather @!p0 [hbm4b:s11+s2], $0x80, v8, vm2, $0xb8;
	[tilespmem:$0x13480] =	vst v63  }
0xa6: {  	s0 =	simm.s32 @!p0 $0x6C80  }
0xa7: {  	[tilespmem:s0], [sflag:$0x1] =	stream.indirect_vreg.gather @!p0 [hbm4b:s12+s2], $0x80, v8, vm2, $0xb8;
	[tilespmem:$0x13480] =	vst v63  }
0xa8: {  	s0 =	simm.s32 @!p1 $0x480  }
0xa9: {  	v8 =	vld.idx.msk @!p1 [tilespmem:v10+s0+$0x0], $0xffff;
	_ =	sdelay $0x4  }
0xaa: {  	v10 =	vshll.u32 @!p1 v8, $0x3  }
0xab: {  	v8 =	vand.u32 @!p1 $0x7, v8;
	v10 =	vand.u32 @!p1 $0xFFFFFFC0, v10  }
0xac: {  	v11 =	vshrl.u32 @!p1 v9, $0x3;
	v8 =	vor.u32 @!p1 v8, v10;
	v10 =	vand.u32 @!p1 $0x7, v9  }
0xad: {  	v11 =	vmul.u32 @!p1 $0x8, v11;
	v10 =	vperm.xlane @!p1 v8, v10;
	_ =	sdelay $0x1  }
0xae: {  	v10 =	vadd.s32 @!p1 v11, v10;
	_ =	sdelay $0x3  }
0xaf: {  	vm1 =	vmmov @!p1 $0xffff;
	s2 =	simm.s32 @!p1 $0x7480;
	s0 =	simm.s32 @!p1 $0x0  }
0xb0: {  	v9 =	vor.u32 @!p1 $0x8, v9;
	[tilespmem:s2], [sflag:$0x1] =	stream.indirect_vreg.gather @!p1 [hbm4b:s1+s0], $0x80, v10, vm1, $0xb8;
	[tilespmem:$0x13480] =	vst v63  }
0xb1: {  	v8 =	vperm.xlane @!p1 v8, v9;
	s2 =	simm.s32 @!p1 $0x7C80  }
0xb2: {  	[tilespmem:s2], [sflag:$0x1] =	stream.indirect_vreg.gather @!p1 [hbm4b:s10+s0], $0x80, v10, vm1, $0xb8;
	[tilespmem:$0x13480] =	vst v63  }
0xb3: {  	v8 =	vadd.s32 @!p1 v11, v8;
	s2 =	simm.s32 @!p1 $0x8480  }
0xb4: {  	[tilespmem:s2], [sflag:$0x1] =	stream.indirect_vreg.gather @!p1 [hbm4b:s11+s0], $0x80, v10, vm1, $0xb8;
	[tilespmem:$0x13480] =	vst v63  }
0xb5: {  	s2 =	simm.s32 @!p1 $0x8C80  }
0xb6: {  	[tilespmem:s2], [sflag:$0x1] =	stream.indirect_vreg.gather @!p1 [hbm4b:s12+s0], $0x80, v10, vm1, $0xb8;
	[tilespmem:$0x13480] =	vst v63  }
0xb7: {  	s2 =	simm.s32 @!p1 $0x9480  }
0xb8: {  	[tilespmem:s2], [sflag:$0x1] =	stream.indirect_vreg.gather @!p1 [hbm4b:s1+s0], $0x80, v8, vm1, $0xb8;
	[tilespmem:$0x13480] =	vst v63  }
0xb9: {  	s2 =	simm.s32 @!p1 $0x9C80  }
0xba: {  	[tilespmem:s2], [sflag:$0x1] =	stream.indirect_vreg.gather @!p1 [hbm4b:s10+s0], $0x80, v8, vm1, $0xb8;
	[tilespmem:$0x13480] =	vst v63  }
0xbb: {  	s2 =	simm.s32 @!p1 $0xA480  }
0xbc: {  	[tilespmem:s2], [sflag:$0x1] =	stream.indirect_vreg.gather @!p1 [hbm4b:s11+s0], $0x80, v8, vm1, $0xb8;
	[tilespmem:$0x13480] =	vst v63  }
0xbd: {  	p3 =	sge.s32 s28, s25;
	s2 =	simm.s32 @!p1 $0xAC80  }
0xbe: {  	[tilespmem:s2], [sflag:$0x1] =	stream.indirect_vreg.gather @!p1 [hbm4b:s12+s0], $0x80, v8, vm1, $0xb8;
	[tilespmem:$0x13480] =	vst v63  }
0xbf: {  	s0 =	sshll.u32 @!p3 s28, $0x7  }
0xc0: {  	v8 =	vor.u32 @!p3 s0, v1;
	_ =	sdelay $0x4  }
0xc1: {  	v9 =	vld.idx.msk @!p3 [tilespmem:v8+s23+$0x0], $0xffff;
	_ =	sdelay $0x4  }
0xc2: {  	vm3 =	vgt.s32 @!p3 v9, $0x0  }
0xc3: {  	v9 =	vnsel @!p3 vm3, $0x0, v9  }
0xc4: {  	v9 =	vmin.u32 @!p3 v9, $0x3FF  }
0xc5: {  	v10 =	vshll.u32 @!p3 v9, $0x3  }
0xc6: {  	v9 =	vand.u32 @!p3 $0x7F, v9;
	v10 =	vand.u32 @!p3 $0x1C00, v10  }
0xc7: {  	v9 =	vor.u32 @!p3 v10, v9  }
0xc8: {  	v9 =	vor.u32 @!p3 v2, v9;
	_ =	sdelay $0x4  }
0xc9: {  	[tilespmem:v9+s19+$0x0] =	vst.idx.msk @!p3 $0xffff, v3  }
0xca: {  	v8 =	vld.idx.msk @!p3 [tilespmem:v8+s22+$0x0], $0xffff;
	_ =	sdelay $0x4  }
0xcb: {  	v9 =	vshll.u32 @!p3 v8, $0x3  }
0xcc: {  	v8 =	vand.u32 @!p3 $0x7, v8;
	v9 =	vand.u32 @!p3 $0xFFFFFFC0, v9  }
0xcd: {  	v8 =	vor.u32 @!p3 v8, v9  }
0xce: {  	v8 =	vadd.s32 @!p3 $0xFFFE0000, v8  }
0xcf: {  	v9 =	vperm.xlane @!p3 v8, v4;
	_ =	sdelay $0x1  }
0xd0: {  	v9 =	vadd.s32 @!p3 v5, v9;
	_ =	sdelay $0x4  }
0xd1: {  	[hbm4b:s7+s3] =	stream.indirect_vreg.scatter @!p3 [tilespmem:s19], [sflag:$0x3], $0x80, v9, vm0, $0xb8;
	[tilespmem:$0x13480] =	vst v63  }
0xd2: {  	s0 =	simm.s32 @!p3 $0xBC80;
	v8 =	vperm.xlane @!p3 v8, v6  }
0xd3: {  	[hbm4b:s13+s3] =	stream.indirect_vreg.scatter @!p3 [tilespmem:s0], [sflag:$0x3], $0x80, v9, vm0, $0xb8;
	[tilespmem:$0x13480] =	vst v63  }
0xd4: {  	v8 =	vadd.s32 @!p3 v5, v8;
	s0 =	simm.s32 @!p3 $0xC480  }
0xd5: {  	[hbm4b:s14+s3] =	stream.indirect_vreg.scatter @!p3 [tilespmem:s0], [sflag:$0x3], $0x80, v9, vm0, $0xb8;
	[tilespmem:$0x13480] =	vst v63  }
0xd6: {  	s0 =	simm.s32 @!p3 $0xCC80  }
0xd7: {  	[hbm4b:s15+s3] =	stream.indirect_vreg.scatter @!p3 [tilespmem:s0], [sflag:$0x3], $0x80, v9, vm0, $0xb8;
	[tilespmem:$0x13480] =	vst v63  }
0xd8: {  	s0 =	simm.s32 @!p3 $0xD480  }
0xd9: {  	[hbm4b:s7+s3] =	stream.indirect_vreg.scatter @!p3 [tilespmem:s0], [sflag:$0x3], $0x80, v8, vm0, $0xb8;
	[tilespmem:$0x13480] =	vst v63  }
0xda: {  	s0 =	simm.s32 @!p3 $0xDC80  }
0xdb: {  	[hbm4b:s13+s3] =	stream.indirect_vreg.scatter @!p3 [tilespmem:s0], [sflag:$0x3], $0x80, v8, vm0, $0xb8;
	[tilespmem:$0x13480] =	vst v63  }
0xdc: {  	s0 =	simm.s32 @!p3 $0xE480  }
0xdd: {  	[hbm4b:s14+s3] =	stream.indirect_vreg.scatter @!p3 [tilespmem:s0], [sflag:$0x3], $0x80, v8, vm0, $0xb8;
	[tilespmem:$0x13480] =	vst v63  }
0xde: {  	p2 =	sge.s32 s29, s25;
	s0 =	simm.s32 @!p3 $0xEC80  }
0xdf: {  	[hbm4b:s15+s3] =	stream.indirect_vreg.scatter @!p3 [tilespmem:s0], [sflag:$0x3], $0x80, v8, vm0, $0xb8;
	[tilespmem:$0x13480] =	vst v63  }
0xe0: {  	s0 =	sshll.u32 @!p2 s29, $0x7  }
0xe1: {  	v8 =	vor.u32 @!p2 s0, v1;
	_ =	sdelay $0x4  }
0xe2: {  	v9 =	vld.idx.msk @!p2 [tilespmem:v8+s23+$0x0], $0xffff;
	_ =	sdelay $0x4  }
0xe3: {  	vm3 =	vgt.s32 @!p2 v9, $0x0  }
0xe4: {  	v9 =	vnsel @!p2 vm3, $0x0, v9  }
0xe5: {  	v9 =	vmin.u32 @!p2 v9, $0x3FF  }
0xe6: {  	v10 =	vshll.u32 @!p2 v9, $0x3  }
0xe7: {  	v9 =	vand.u32 @!p2 $0x7F, v9;
	v10 =	vand.u32 @!p2 $0x1C00, v10  }
0xe8: {  	v9 =	vor.u32 @!p2 v10, v9  }
0xe9: {  	v9 =	vor.u32 @!p2 v7, v9;
	_ =	sdelay $0x4  }
0xea: {  	[tilespmem:v9+s19+$0x0] =	vst.idx.msk @!p2 $0xffff, v3  }
0xeb: {  	v8 =	vld.idx.msk @!p2 [tilespmem:v8+s22+$0x0], $0xffff;
	_ =	sdelay $0x4  }
0xec: {  	v9 =	vshll.u32 @!p2 v8, $0x3  }
0xed: {  	v8 =	vand.u32 @!p2 $0x7, v8;
	v9 =	vand.u32 @!p2 $0xFFFFFFC0, v9  }
0xee: {  	v8 =	vor.u32 @!p2 v8, v9  }
0xef: {  	v8 =	vadd.s32 @!p2 $0xFFFE0000, v8  }
0xf0: {  	v9 =	vperm.xlane @!p2 v8, v4;
	_ =	sdelay $0x1  }
0xf1: {  	v9 =	vadd.s32 @!p2 v5, v9;
	_ =	sdelay $0x4  }
0xf2: {  	[hbm4b:s7+s3] =	stream.indirect_vreg.scatter @!p2 [tilespmem:s20], [sflag:$0x3], $0x80, v9, vm0, $0xb8;
	[tilespmem:$0x13480] =	vst v63  }
0xf3: {  	s0 =	simm.s32 @!p2 $0xFC80;
	v8 =	vperm.xlane @!p2 v8, v6  }
0xf4: {  	[hbm4b:s13+s3] =	stream.indirect_vreg.scatter @!p2 [tilespmem:s0], [sflag:$0x3], $0x80, v9, vm0, $0xb8;
	[tilespmem:$0x13480] =	vst v63  }
0xf5: {  	v8 =	vadd.s32 @!p2 v5, v8;
	s0 =	simm.s32 @!p2 $0x10480  }
0xf6: {  	[hbm4b:s14+s3] =	stream.indirect_vreg.scatter @!p2 [tilespmem:s0], [sflag:$0x3], $0x80, v9, vm0, $0xb8;
	[tilespmem:$0x13480] =	vst v63  }
0xf7: {  	_ = 	snop  }
0xf8: {  	[hbm4b:s15+s3] =	stream.indirect_vreg.scatter @!p2 [tilespmem:s18], [sflag:$0x3], $0x80, v9, vm0, $0xb8;
	[tilespmem:$0x13480] =	vst v63  }
0xf9: {  	_ = 	snop  }
0xfa: {  	[hbm4b:s7+s3] =	stream.indirect_vreg.scatter @!p2 [tilespmem:s5], [sflag:$0x3], $0x80, v8, vm0, $0xb8;
	[tilespmem:$0x13480] =	vst v63  }
0xfb: {  	_ = 	snop  }
0xfc: {  	[hbm4b:s13+s3] =	stream.indirect_vreg.scatter @!p2 [tilespmem:s8], [sflag:$0x3], $0x80, v8, vm0, $0xb8;
	[tilespmem:$0x13480] =	vst v63  }
0xfd: {  	_ = 	snop  }
0xfe: {  	[hbm4b:s14+s3] =	stream.indirect_vreg.scatter @!p2 [tilespmem:s9], [sflag:$0x3], $0x80, v8, vm0, $0xb8;
	[tilespmem:$0x13480] =	vst v63  }
0xff: {  	_ = 	snop  }
0x100: {  	[hbm4b:s15+s3] =	stream.indirect_vreg.scatter @!p2 [tilespmem:s16], [sflag:$0x3], $0x80, v8, vm0, $0xb8;
	v8 =	vlaneseq.u32 @!p0;
	[tilespmem:$0x13480] =	vst v63  }
0x101: {  	v9 =	vor.u32 @!p0 s31, v8;
	_ =	sdelay $0x3  }
0x102: {  	s0 =	simm.s32 @!p0 $0x480  }
0x103: {  	v9 =	vld.idx.msk @!p0 [tilespmem:v9+s0+$0x0], $0xffff;
	_ =	sdelay $0x4  }
0x104: {  	v10 =	vshll.u32 @!p0 v9, $0x3  }
0x105: {  	v9 =	vand.u32 @!p0 $0x7, v9;
	v10 =	vand.u32 @!p0 $0xFFFFFFC0, v10  }
0x106: {  	v9 =	vor.u32 @!p0 v9, v10  }
0x107: {  	v11 =	vshrl.u32 @!p0 v8, $0x3;
	v10 =	vand.u32 @!p0 $0x7, v8;
	v9 =	vadd.s32 @!p0 $0xFFFE0000, v9  }
0x108: {  	v11 =	vmul.u32 @!p0 $0x8, v11;
	v10 =	vperm.xlane @!p0 v9, v10;
	_ =	sdelay $0x1  }
0x109: {  	v10 =	vadd.s32 @!p0 v11, v10  }
0x10a: {  	s0 =	simm.s32 @!p0 $0x1  }
0x10b: {  	_ =	swait.ge @!p0 [sflag:s0], $0x4000  }
0x10c: {  	[sflag:s0] =	ssyncset.done @!p0 $0x0  }
0x10d: {  	s2 =	simm.s32 @!p0 $0x3480;
	[sflag:s0] =	ssyncadd.s32 @!p0 $0xFFFFC000;
	s0 =	simm.s32 @!p0 $0x0  }
0x10e: {  	v8 =	vor.u32 @!p0 $0x8, v8;
	[hbm4b:s7+s0] =	stream.indirect_vreg.scatter @!p0 [tilespmem:s2], [sflag:$0x2], $0x80, v10, vm2, $0xb8;
	[tilespmem:$0x13480] =	vst v63  }
0x10f: {  	v8 =	vperm.xlane @!p0 v9, v8;
	s2 =	simm.s32 @!p0 $0x3C80  }
0x110: {  	[hbm4b:s13+s0] =	stream.indirect_vreg.scatter @!p0 [tilespmem:s2], [sflag:$0x2], $0x80, v10, vm2, $0xb8;
	[tilespmem:$0x13480] =	vst v63  }
0x111: {  	v8 =	vadd.s32 @!p0 v11, v8;
	s2 =	simm.s32 @!p0 $0x4480  }
0x112: {  	[hbm4b:s14+s0] =	stream.indirect_vreg.scatter @!p0 [tilespmem:s2], [sflag:$0x2], $0x80, v10, vm2, $0xb8;
	[tilespmem:$0x13480] =	vst v63  }
0x113: {  	s2 =	simm.s32 @!p0 $0x4C80  }
0x114: {  	[hbm4b:s15+s0] =	stream.indirect_vreg.scatter @!p0 [tilespmem:s2], [sflag:$0x2], $0x80, v10, vm2, $0xb8;
	[tilespmem:$0x13480] =	vst v63  }
0x115: {  	s2 =	simm.s32 @!p0 $0x5480  }
0x116: {  	[hbm4b:s7+s0] =	stream.indirect_vreg.scatter @!p0 [tilespmem:s2], [sflag:$0x2], $0x80, v8, vm2, $0xb8;
	[tilespmem:$0x13480] =	vst v63  }
0x117: {  	s2 =	simm.s32 @!p0 $0x5C80  }
0x118: {  	v9 =	vlaneseq.u32 @!p1;
	[hbm4b:s13+s0] =	stream.indirect_vreg.scatter @!p0 [tilespmem:s2], [sflag:$0x2], $0x80, v8, vm2, $0xb8;
	[tilespmem:$0x13480] =	vst v63  }
0x119: {  	v10 =	vor.u32 @!p1 s30, v9;
	s2 =	simm.s32 @!p0 $0x6480  }
0x11a: {  	[hbm4b:s14+s0] =	stream.indirect_vreg.scatter @!p0 [tilespmem:s2], [sflag:$0x2], $0x80, v8, vm2, $0xb8;
	[tilespmem:$0x13480] =	vst v63  }
0x11b: {  	s2 =	simm.s32 @!p0 $0x6C80  }
0x11c: {  	[hbm4b:s15+s0] =	stream.indirect_vreg.scatter @!p0 [tilespmem:s2], [sflag:$0x2], $0x80, v8, vm2, $0xb8;
	[tilespmem:$0x13480] =	vst v63  }
0x11d: {  	s0 =	simm.s32 @!p1 $0x480  }
0x11e: {  	v8 =	vld.idx.msk @!p1 [tilespmem:v10+s0+$0x0], $0xffff;
	_ =	sdelay $0x4  }
0x11f: {  	v10 =	vshll.u32 @!p1 v8, $0x3  }
0x120: {  	v8 =	vand.u32 @!p1 $0x7, v8;
	v10 =	vand.u32 @!p1 $0xFFFFFFC0, v10  }
0x121: {  	v8 =	vor.u32 @!p1 v8, v10  }
0x122: {  	v11 =	vshrl.u32 @!p1 v9, $0x3;
	v10 =	vand.u32 @!p1 $0x7, v9;
	v8 =	vadd.s32 @!p1 $0xFFFE0000, v8  }
0x123: {  	v11 =	vmul.u32 @!p1 $0x8, v11;
	v10 =	vperm.xlane @!p1 v8, v10;
	_ =	sdelay $0x1  }
0x124: {  	v10 =	vadd.s32 @!p1 v11, v10  }
0x125: {  	s0 =	simm.s32 @!p1 $0x1  }
0x126: {  	_ =	swait.ge @!p1 [sflag:s0], $0x4000  }
0x127: {  	[sflag:s0] =	ssyncset.done @!p1 $0x0  }
0x128: {  	s2 =	simm.s32 @!p1 $0x7480;
	[sflag:s0] =	ssyncadd.s32 @!p1 $0xFFFFC000;
	s0 =	simm.s32 @!p1 $0x0  }
0x129: {  	v9 =	vor.u32 @!p1 $0x8, v9;
	[hbm4b:s7+s0] =	stream.indirect_vreg.scatter @!p1 [tilespmem:s2], [sflag:$0x2], $0x80, v10, vm1, $0xb8;
	[tilespmem:$0x13480] =	vst v63  }
0x12a: {  	v8 =	vperm.xlane @!p1 v8, v9;
	s2 =	simm.s32 @!p1 $0x7C80  }
0x12b: {  	[hbm4b:s13+s0] =	stream.indirect_vreg.scatter @!p1 [tilespmem:s2], [sflag:$0x2], $0x80, v10, vm1, $0xb8;
	[tilespmem:$0x13480] =	vst v63  }
0x12c: {  	v8 =	vadd.s32 @!p1 v11, v8;
	s2 =	simm.s32 @!p1 $0x8480  }
0x12d: {  	[hbm4b:s14+s0] =	stream.indirect_vreg.scatter @!p1 [tilespmem:s2], [sflag:$0x2], $0x80, v10, vm1, $0xb8;
	[tilespmem:$0x13480] =	vst v63  }
0x12e: {  	s2 =	simm.s32 @!p1 $0x8C80  }
0x12f: {  	[hbm4b:s15+s0] =	stream.indirect_vreg.scatter @!p1 [tilespmem:s2], [sflag:$0x2], $0x80, v10, vm1, $0xb8;
	[tilespmem:$0x13480] =	vst v63  }
0x130: {  	s2 =	simm.s32 @!p1 $0x9480  }
0x131: {  	[hbm4b:s7+s0] =	stream.indirect_vreg.scatter @!p1 [tilespmem:s2], [sflag:$0x2], $0x80, v8, vm1, $0xb8;
	[tilespmem:$0x13480] =	vst v63  }
0x132: {  	s2 =	simm.s32 @!p1 $0x9C80  }
0x133: {  	[hbm4b:s13+s0] =	stream.indirect_vreg.scatter @!p1 [tilespmem:s2], [sflag:$0x2], $0x80, v8, vm1, $0xb8;
	[tilespmem:$0x13480] =	vst v63  }
0x134: {  	s2 =	simm.s32 @!p1 $0xA480  }
0x135: {  	[hbm4b:s14+s0] =	stream.indirect_vreg.scatter @!p1 [tilespmem:s2], [sflag:$0x2], $0x80, v8, vm1, $0xb8;
	[tilespmem:$0x13480] =	vst v63  }
0x136: {  	s30 =	sshll.u32 @!p3 s28, $0x7;
	v9 =	vlaneseq.u32 @!p3;
	s2 =	simm.s32 @!p1 $0xAC80  }
0x137: {  	[hbm4b:s15+s0] =	stream.indirect_vreg.scatter @!p1 [tilespmem:s2], [sflag:$0x2], $0x80, v8, vm1, $0xb8;
	v8 =	vor.u32 @!p3 s30, v9;
	[tilespmem:$0x13480] =	vst v63  }
0x138: {  	s0 =	simm.s32 @!p3 $0x3;
	v9 =	vimm.s32 @!p3 $0x2380;
	vm1 =	vcmask @!p3 $0x300  }
0x139: {  	_ =	swait.ge @!p3 [sflag:s0], $0x4000;
	v9 =	vsel @!p3 vm1, $0x0, v9;
	vm1 =	vcmask @!p3 $0x704  }
0x13a: {  	[sflag:s0] =	ssyncset.done @!p3 $0x0;
	v9 =	vsel @!p3 vm1, $0x80, v9;
	vm1 =	vcmask @!p3 $0xB08  }
0x13b: {  	[sflag:s0] =	ssyncadd.s32 @!p3 $0xFFFFC000;
	s0 =	simm.s32 @!p3 $0x2480;
	v9 =	vsel @!p3 vm1, $0x100, v9;
	vm1 =	vcmask @!p3 $0xF0C  }
0x13c: {  	v9 =	vsel @!p3 vm1, $0x180, v9;
	vm1 =	vcmask @!p3 $0x1310;
	v8 =	vld.idx.msk @!p3 [tilespmem:v8+s0+$0x0], $0xffff  }
0x13d: {  	v9 =	vsel @!p3 vm1, $0x200, v9;
	vm1 =	vcmask @!p3 $0x1714  }
0x13e: {  	v9 =	vsel @!p3 vm1, $0x280, v9;
	vm1 =	vcmask @!p3 $0x1B18  }
0x13f: {  	v9 =	vsel @!p3 vm1, $0x300, v9;
	vm1 =	vcmask @!p3 $0x1F1C  }
0x140: {  	v9 =	vsel @!p3 vm1, $0x380, v9;
	vm1 =	vcmask @!p3 $0x2320  }
0x141: {  	v9 =	vsel @!p3 vm1, $0x2000, v9;
	vm1 =	vcmask @!p3 $0x2724;
	vm2 =	vgt.s32 @!p3 v8, $0x0  }
0x142: {  	v9 =	vsel @!p3 vm1, $0x2080, v9;
	vm1 =	vcmask @!p3 $0x2B28;
	v8 =	vnsel @!p3 vm2, $0x0, v8  }
0x143: {  	v9 =	vsel @!p3 vm1, $0x2100, v9;
	vm1 =	vcmask @!p3 $0x2F2C;
	v8 =	vmin.u32 @!p3 v8, $0x3FF  }
0x144: {  	v9 =	vsel @!p3 vm1, $0x2180, v9;
	vm1 =	vcmask @!p3 $0x3330;
	v10 =	vand.u32 @!p3 $0x7F, v8  }
0x145: {  	v8 =	vshll.u32 @!p3 v8, $0x3;
	v9 =	vsel @!p3 vm1, $0x2200, v9;
	vm1 =	vcmask @!p3 $0x3734  }
0x146: {  	v8 =	vand.u32 @!p3 $0x1C00, v8;
	v9 =	vsel @!p3 vm1, $0x2280, v9;
	vm1 =	vcmask @!p3 $0x3B38  }
0x147: {  	v8 =	vor.u32 @!p3 v8, v10;
	v9 =	vsel @!p3 vm1, $0x2300, v9  }
0x148: {  	v8 =	vor.u32 @!p3 v9, v8;
	_ =	sdelay $0x2  }
0x149: {  	s0 =	sshll.u32 @!p2 s29, $0x7;
	v9 =	vlaneseq.u32 @!p2  }
0x14a: {  	s2 =	simm.s32 @!p3 $0xB480;
	v10 =	vimm.f32 @!p3 $0.0e+00;
	v9 =	vor.u32 @!p2 s0, v9  }
0x14b: {  	vm1 =	vcmask @!p2 $0x300;
	s0 =	simm.s32 @!p2 $0x3;
	[tilespmem:v8+s2+$0x0] =	vst.idx.msk @!p3 $0xffff, v10;
	v8 =	vimm.s32 @!p2 $0x6380  }
0x14c: {  	_ =	swait.ge @!p2 [sflag:s0], $0x4000;
	v8 =	vsel @!p2 vm1, $0x4000, v8;
	vm1 =	vcmask @!p2 $0x704  }
0x14d: {  	[sflag:s0] =	ssyncset.done @!p2 $0x0;
	v8 =	vsel @!p2 vm1, $0x4080, v8;
	vm1 =	vcmask @!p2 $0xB08  }
0x14e: {  	[sflag:s0] =	ssyncadd.s32 @!p2 $0xFFFFC000;
	s0 =	simm.s32 @!p2 $0x2480;
	v8 =	vsel @!p2 vm1, $0x4100, v8;
	vm1 =	vcmask @!p2 $0xF0C  }
0x14f: {  	v9 =	vld.idx.msk @!p2 [tilespmem:v9+s0+$0x0], $0xffff;
	v8 =	vsel @!p2 vm1, $0x4180, v8;
	vm1 =	vcmask @!p2 $0x1310  }
0x150: {  	v8 =	vsel @!p2 vm1, $0x4200, v8;
	vm1 =	vcmask @!p2 $0x1714  }
0x151: {  	v8 =	vsel @!p2 vm1, $0x4280, v8;
	vm1 =	vcmask @!p2 $0x1B18  }
0x152: {  	v8 =	vsel @!p2 vm1, $0x4300, v8;
	vm1 =	vcmask @!p2 $0x1F1C  }
0x153: {  	v8 =	vsel @!p2 vm1, $0x4380, v8;
	vm1 =	vcmask @!p2 $0x2320  }
0x154: {  	vm2 =	vgt.s32 @!p2 v9, $0x0;
	v8 =	vsel @!p2 vm1, $0x6000, v8;
	vm1 =	vcmask @!p2 $0x2724  }
0x155: {  	v9 =	vnsel @!p2 vm2, $0x0, v9;
	v8 =	vsel @!p2 vm1, $0x6080, v8;
	vm1 =	vcmask @!p2 $0x2B28  }
0x156: {  	v9 =	vmin.u32 @!p2 v9, $0x3FF;
	v8 =	vsel @!p2 vm1, $0x6100, v8;
	vm1 =	vcmask @!p2 $0x2F2C  }
0x157: {  	v10 =	vand.u32 @!p2 $0x7F, v9;
	v8 =	vsel @!p2 vm1, $0x6180, v8;
	vm1 =	vcmask @!p2 $0x3330  }
0x158: {  	v9 =	vshll.u32 @!p2 v9, $0x3;
	v8 =	vsel @!p2 vm1, $0x6200, v8;
	vm1 =	vcmask @!p2 $0x3734  }
0x159: {  	v9 =	vand.u32 @!p2 $0x1C00, v9;
	v8 =	vsel @!p2 vm1, $0x6280, v8;
	vm1 =	vcmask @!p2 $0x3B38  }
0x15a: {  	v9 =	vor.u32 @!p2 v9, v10;
	v8 =	vsel @!p2 vm1, $0x6300, v8  }
0x15b: {  	v8 =	vor.u32 @!p2 v8, v9;
	_ =	sdelay $0x3  }
0x15c: {  	s0 =	simm.s32 @!p2 $0xB480;
	v9 =	vimm.f32 @!p2 $0.0e+00  }
0x15d: {  	[tilespmem:v8+s0+$0x0] =	vst.idx.msk @!p2 $0xffff, v9;
	s0 =	simm.s32 @!p0 $0x2  }
0x15e: {  	_ =	swait.ge @!p0 [sflag:s0], $0x4000  }
0x15f: {  	s26 =	sadd.s32 $0xFFFFFFFF, s26;
	[sflag:s0] =	ssyncset.done @!p0 $0x0  }
0x160: {  	[sflag:s0] =	ssyncadd.s32 @!p0 $0xFFFFC000;
	p0 =	sne.s32 s26, $0x0  }
.Ltmp4:
0x161: {  	_ = 	snop;
	(pc) =	sbr.rel @p0 .LBB2_4-.Ltmp4, $4  }
0x162: {  	s0 =	simm.s32 @!p1 $0x2  }
0x163: {  	_ =	swait.ge @!p1 [sflag:s0], $0x4000  }
0x164: {  	[sflag:s0] =	ssyncset.done @!p1 $0x0  }
0x165: {  	s28 =	sadd.s32 $0x2, s28;
	[sflag:s0] =	ssyncadd.s32 @!p1 $0xFFFFC000  }
.Ltmp5:
0x166: {  	_ = 	snop;
	(pc) =	sbr.rel .LBB2_5-.Ltmp5, $1  }
0x167: {  	_ =	sdelay $0x3  }
.LBB2_6:
0x168: {  	_ =	sfence.sel $0x180000  }
0x169: {  	[bflag:$0x0] =	sbarrier.arrive $0xFFFF  }
0x16a: {  	_ =	strace $0x90000047  }
0x16b: {  	s0 =	stileid.u32;
	[bflag:$0x2] =	sbarrier.arrive $0xFFFF  }
0x16c: {  	p0 =	sne.s32 s0, $0x0;
	s0 =	rddreg [dreg:$0x2]  }
0x16d: {  	s0 =	sadd.s32 @!p0 $0x100000, s0  }
0x16e: {  	[sflag:s0] =	ssyncadd.tile.s32 @!p0 $0x1;
	_ =	shalt  }
.Lfunc_end2:
_tile_overlayer_lowered:
.L_overlay_start_2:
0x16f: {  	(tag) =	ssettag $0x2  }
0x170: {  	s0 =	rddreg [dreg:$0x0];
	s2 =	stileid.u32  }
0x171: {  	s1 =	rddreg [dreg:$0x1];
	p0 =	sne.s32 s2, $0x0  }
0x172: {  	s3 =	rddreg [dreg:$0x2];
	[bflag:$0x3] =	sbarrier.arrive $0xFFFF;
	s2 =	simm.s32 @!p0 $0x1C04  }
0x173: {  	[timem:s3], [sflag:s2] =	dma.local @!p0 [hbm:s0], s1  }
0x174: {  	s0 =	simm.s32 @!p0 $0x4  }
0x175: {  	_ =	swait.ge @!p0 [sflag:s0], s1  }
0x176: {  	s1 =	ssub.s32 @!p0 $0x0, s1;
	[sflag:s0] =	ssyncset.done @!p0 $0x0  }
0x177: {  	[sflag:s0] =	ssyncadd.s32 @!p0 s1  }
0x178: {  	[bflag:$0x3] =	sbarrier.arrive $0xFFFF  }
0x179: {  	_ =	shalt  }

</sc_bundles>
